<compile_context>
chip_gen: v7x
topology: tpu7x:2x2x1
jax: 0.10.2.dev20260603
libtpu: 0.0.44.dev20260713+nightly
codegen_flags: <defaults>
</compile_context>

<pallas_src>
import functools

import jax
import jax.numpy as jnp
from jax import lax
from jax.experimental import pallas as pl
from jax.experimental.pallas import tpu as pltpu
from jax.experimental.pallas import tpu_sc as plsc

B = 16384
NSTIM = 21
NPAIR = NSTIM * NSTIM
NPAIR_PAD = 448
L = 16
NC, NS = 2, 16
NW = NC * NS
BPW = B // NW
HALF = BPW // 2
NGROUPS_HALF = HALF // L

_PAIRS = [(i, j) for i in range(8) for j in range(8) if j != i]


def _sqrt_f32(x):
    i = plsc.bitcast(x, jnp.int32)
    i = jnp.int32(0x5F3759DF) - jnp.right_shift(i, 1)
    y = plsc.bitcast(i, jnp.float32)
    for _ in range(3):
        y = y * (1.5 - 0.5 * x * y * y)
    return jnp.where(x > 0.0, x * y, 0.0)


def _splat(v, dtype=jnp.int32):
    return jnp.full((L,), v, dtype)


def _sc_body(g2_hbm, g8_hbm, tab_hbm, out1_hbm, out2_hbm,
             tab_v, s_v, idx2_v, idx8_v, out1_v, out2_v,
             sem_in2, sem_in8, sem_o1, sem_o2):
    wid = lax.axis_index("s") * NC + lax.axis_index("c")
    base = wid * BPW

    in2 = pltpu.make_async_copy(
        g2_hbm.at[:, pl.ds(base, BPW)], idx2_v, sem_in2)
    in8 = pltpu.make_async_copy(
        g8_hbm.at[:, pl.ds(base, BPW)], idx8_v, sem_in8)
    in2.start()
    in8.start()
    pltpu.sync_copy(tab_hbm, tab_v)

    def out_copy(h):
        hb = pl.ds(base + h * HALF, HALF)
        vb = pl.ds(h * HALF, HALF)
        return (pltpu.make_async_copy(
                    out1_v.at[:, vb], out1_hbm.at[:, hb], sem_o1),
                pltpu.make_async_copy(
                    out2_v.at[:, vb], out2_hbm.at[:, hb], sem_o2))

    def build_pairs(i, carry):
        p = jnp.minimum(i * L + lax.iota(jnp.int32, L), NPAIR - 1)
        q = jnp.right_shift(p * 3121, 16)
        r = p - q * NSTIM
        d2 = None
        for d in range(3):
            diff = (plsc.load_gather(tab_v, [_splat(d), q])
                    - plsc.load_gather(tab_v, [_splat(d), r]))
            d2 = diff * diff if d2 is None else d2 + diff * diff
        s_v[pl.ds(i * L, L)] = jnp.exp(-10.0 * _sqrt_f32(d2)) + 0.001
        return carry

    lax.fori_loop(0, NPAIR_PAD // L, build_pairs, 0)
    in2.wait()
    in8.wait()

    def group(g, carry):
        sl = pl.ds(g * L, L)
        q = idx2_v[0, sl] * NSTIM
        s1 = plsc.load_gather(s_v, [q + idx2_v[1, sl]])
        s2 = plsc.load_gather(s_v, [q + idx2_v[2, sl]])
        inv = 1.0 / (s1 + s2)
        out1_v[0, sl] = s1 * inv
        out1_v[1, sl] = s2 * inv
        q = idx8_v[0, sl] * NSTIM
        s = [plsc.load_gather(s_v, [q + idx8_v[j + 1, sl]])
             for j in range(8)]
        tot = s[0]
        for j in range(1, 8):
            tot = tot + s[j]
        invt = 1.0 / tot
        a = [(s[i] * invt) / (tot - s[i]) for i in range(8)]
        for k, (i, j) in enumerate(_PAIRS):
            out2_v[k, sl] = a[i] * s[j]
        return carry

    lax.fori_loop(0, NGROUPS_HALF, group, 0)
    first = out_copy(0)
    for cp in first:
        cp.start()
    lax.fori_loop(NGROUPS_HALF, 2 * NGROUPS_HALF, group, 0)
    second = out_copy(1)
    for cp in second:
        cp.start()
    for cp in first:
        cp.wait()
    for cp in second:
        cp.wait()


@functools.cache
def _build():
    mesh = plsc.VectorSubcoreMesh(
        core_axis_name="c", subcore_axis_name="s",
        num_cores=NC, num_subcores=NS)
    return pl.kernel(
        _sc_body,
        out_type=(jax.ShapeDtypeStruct((2, B), jnp.float32),
                  jax.ShapeDtypeStruct((56, B), jnp.float32)),
        mesh=mesh,
        compiler_params=pltpu.CompilerParams(
            needs_layout_passes=False, use_tc_tiling_on_sc=True),
        scratch_types=[
            pltpu.VMEM((3, NSTIM), jnp.float32),
            pltpu.VMEM((NPAIR_PAD,), jnp.float32),
            pltpu.VMEM((3, BPW), jnp.int32),
            pltpu.VMEM((9, BPW), jnp.int32),
            pltpu.VMEM((2, BPW), jnp.float32),
            pltpu.VMEM((56, BPW), jnp.float32),
            pltpu.SemaphoreType.DMA,
            pltpu.SemaphoreType.DMA,
            pltpu.SemaphoreType.DMA,
            pltpu.SemaphoreType.DMA,
        ],
    )


def kernel(given2rank1_stimulus_set, given8rank2_stimulus_set, percept_table):
    o1t, o2t = _build()(given2rank1_stimulus_set.T,
                        given8rank2_stimulus_set.T,
                        percept_table.T)
    return (o1t.T, o2t.T)

# --- scband reference (transcript-rebuilt; emitter-appended) ---
"""Pipeline reference for scband-multi-rank-model-a-19250043421198 (READ-ONLY COPY).

The authoritative reference and input builder live on the scoring server;
editing this copy changes nothing except your own understanding.
"""

import jax, jax.numpy as jnp
import numpy as np

N_STIMULI = 20
N_DIM = 3
BATCH = 16384


def _similarity(z_q, z_r):
    # Minkowski distance with rho=2, w=1 followed by ExponentialSimilarity
    # (beta=10, tau=1, gamma=0.001), all non-trainable constants per __init__.
    d = jnp.power(jnp.sum(jnp.power(jnp.abs(z_q - z_r), 2.0), axis=-1), 1.0 / 2.0)
    return jnp.exp(-10.0 * jnp.power(d, 1.0)) + 0.001


def _soft_rank_1(s):
    # SoftRank(n_select=1): Luce choice probability over references.
    return s / jnp.sum(s, axis=-1, keepdims=True)


def _soft_rank_2(s):
    # SoftRank(n_select=2): Plackett-Luce probability for every ordered pair
    # (i, j), i != j, of the 8 references -> 56 outcomes.
    n_ref = s.shape[-1]
    total = jnp.sum(s, axis=-1, keepdims=True)  # [B, 1]
    p1 = s / total                               # [B, n_ref] P(first = i)
    denom2 = total - s                           # [B, n_ref] remaining mass after i
    p2 = s[:, None, :] / denom2[:, :, None]      # [B, i, j] P(second = j | first = i)
    probs = p1[:, :, None] * p2                  # [B, i, j]
    mask = ~np.eye(n_ref, dtype=bool)
    idx = np.flatnonzero(mask.ravel())           # static off-diagonal indices
    return probs.reshape(s.shape[0], n_ref * n_ref)[:, idx]


def setup_inputs(seed: int = 0) -> dict:
    key = jax.random.key(seed)
    k1, k2, k3 = jax.random.split(key, 3)
    # indices in [1, n_stimuli]; 0 is the mask token (mask_zero=True), avoided here
    given2 = jax.random.randint(k1, (BATCH, 3), 1, N_STIMULI + 1, dtype=jnp.int32)
    given8 = jax.random.randint(k2, (BATCH, 9), 1, N_STIMULI + 1, dtype=jnp.int32)
    # keras.layers.Embedding default init: uniform(-0.05, 0.05)
    table = jax.random.uniform(k3, (N_STIMULI + 1, N_DIM), minval=-0.05, maxval=0.05, dtype=jnp.float32)
    return {
        "given2rank1_stimulus_set": given2,
        "given8rank2_stimulus_set": given8,
        "percept_table": table,
    }


def reference(given2rank1_stimulus_set, given8rank2_stimulus_set, percept_table):
    # branch 1: 2 references, select 1
    z = jnp.take(percept_table, given2rank1_stimulus_set, axis=0)  # [B, 3, n_dim]
    z_q, z_r = z[:, :1, :], z[:, 1:, :]
    s_2rank1 = _similarity(z_q, z_r)                               # [B, 2]
    prob_2rank1 = _soft_rank_1(s_2rank1)                           # [B, 2]
    # branch 2: 8 references, select 2
    z = jnp.take(percept_table, given8rank2_stimulus_set, axis=0)  # [B, 9, n_dim]
    z_q, z_r = z[:, :1, :], z[:, 1:, :]
    s_8rank2 = _similarity(z_q, z_r)                               # [B, 8]
    prob_8rank2 = _soft_rank_2(s_8rank2)                           # [B, 56]
    return (prob_2rank1, prob_8rank2)

if __name__ == "__main__":
    import jax
    _d = setup_inputs()
    print(jax.jit(kernel)(*tuple(_d.values())))

</pallas_src>

<mosaic_0001>
#map = affine_map<(d0, d1) -> (0, 0)>
module attributes {stable_mosaic.version = 14 : i64} {
  func.func @_sc_body(%arg0: i32, %arg1: i32, %arg2: memref<3x16384xi32, #tpu.memory_space<hbm>>, %arg3: memref<9x16384xi32, #tpu.memory_space<hbm>>, %arg4: memref<3x21xf32, #tpu.memory_space<hbm>>, %arg5: memref<2x16384xf32, #tpu.memory_space<hbm>>, %arg6: memref<56x16384xf32, #tpu.memory_space<hbm>>, %arg7: memref<3x21xf32, #tpu.memory_space<vmem>>, %arg8: memref<448xf32, #tpu.memory_space<vmem>>, %arg9: memref<3x512xi32, #tpu.memory_space<vmem>>, %arg10: memref<9x512xi32, #tpu.memory_space<vmem>>, %arg11: memref<2x512xf32, #tpu.memory_space<vmem>>, %arg12: memref<56x512xf32, #tpu.memory_space<vmem>>, %arg13: memref<!tpu.dma_semaphore, #tpu.memory_space<semaphore_mem>>, %arg14: memref<!tpu.dma_semaphore, #tpu.memory_space<semaphore_mem>>, %arg15: memref<!tpu.dma_semaphore, #tpu.memory_space<semaphore_mem>>, %arg16: memref<!tpu.dma_semaphore, #tpu.memory_space<semaphore_mem>>) attributes {dimension_semantics = [#tpu.dimension_semantics<core_parallel>, #tpu.dimension_semantics<subcore_parallel>], iteration_bounds = array<i64: 2, 16>, scalar_prefetch = 0 : i64, scratch_operands = 10 : i64, tpu.core_type = #tpu.core_type<sc_vector_subcore>, window_params = [{transform_indices = #map}, {transform_indices = #map}, {transform_indices = #map}, {transform_indices = #map}, {transform_indices = #map}]} {
    %mul3A = arith.constant 2 : i32
    %mul3A_0 = arith.muli %arg1, %mul3A : i32
    %add3A = arith.addi %mul3A_0, %arg0 : i32
    %mul3A_1 = arith.constant 512 : i32
    %mul3A_2 = arith.muli %add3A, %mul3A_1 : i32
    %dma_start3A = arith.constant 0 : i32
    %dma_start3A_3 = tpu.memref_slice %arg2[%dma_start3A, %mul3A_2] : memref<3x16384xi32, #tpu.memory_space<hbm>> -> memref<3x512xi32, #tpu.memory_space<hbm>>
    %dma_start3A_4 = arith.constant 0 : i32
    %dma_start3A_5 = tpu.memref_slice %arg2[%dma_start3A_4, %mul3A_2] : memref<3x16384xi32, #tpu.memory_space<hbm>> -> memref<3x512xi32, #tpu.memory_space<hbm>>
    tpu.enqueue_dma source(%dma_start3A_5 : memref<3x512xi32, #tpu.memory_space<hbm>>) target(%arg9 : memref<3x512xi32, #tpu.memory_space<vmem>>) target_semaphore(%arg13 : memref<!tpu.dma_semaphore, #tpu.memory_space<semaphore_mem>>)
    %dma_start3A_6 = arith.constant 0 : i32
    %dma_start3A_7 = tpu.memref_slice %arg3[%dma_start3A_6, %mul3A_2] : memref<9x16384xi32, #tpu.memory_space<hbm>> -> memref<9x512xi32, #tpu.memory_space<hbm>>
    %dma_start3A_8 = arith.constant 0 : i32
    %dma_start3A_9 = tpu.memref_slice %arg3[%dma_start3A_8, %mul3A_2] : memref<9x16384xi32, #tpu.memory_space<hbm>> -> memref<9x512xi32, #tpu.memory_space<hbm>>
    tpu.enqueue_dma source(%dma_start3A_9 : memref<9x512xi32, #tpu.memory_space<hbm>>) target(%arg10 : memref<9x512xi32, #tpu.memory_space<vmem>>) target_semaphore(%arg14 : memref<!tpu.dma_semaphore, #tpu.memory_space<semaphore_mem>>)
    "tpu.region"() ({
      %run_scoped3A = tpu.sem_alloc : memref<!tpu.dma_semaphore, #tpu.memory_space<semaphore_mem>>
      tpu.enqueue_dma source(%arg4 : memref<3x21xf32, #tpu.memory_space<hbm>>) target(%arg7 : memref<3x21xf32, #tpu.memory_space<vmem>>) target_semaphore(%run_scoped3A : memref<!tpu.dma_semaphore, #tpu.memory_space<semaphore_mem>>)
      tpu.wait_dma2 semaphore(%run_scoped3A : memref<!tpu.dma_semaphore, #tpu.memory_space<semaphore_mem>>) src(%arg4 : memref<3x21xf32, #tpu.memory_space<hbm>>) dst(%arg7 : memref<3x21xf32, #tpu.memory_space<vmem>>)
      tpu.yield
    }) : () -> ()
    %scan3A = arith.constant 0 : i32
    %scan3A_10 = arith.constant 0 : i32
    %scan3A_11 = arith.constant 28 : i32
    %scan3A_12 = arith.addi %scan3A_10, %scan3A_11 : i32
    %scan3A_13 = arith.constant 1 : i32
    scf.for %scan3A_118 = %scan3A_10 to %scan3A_12 step %scan3A_13  : i32 {
      %mul3A_119 = arith.constant 16 : i32
      %mul3A_120 = arith.muli %scan3A_118, %mul3A_119 : i32
      %iota3A = tpu.iota {dimensions = array<i32: 0>} : vector<16xi32>
      %add3A_121 = vector.broadcast %mul3A_120 : i32 to vector<16xi32>
      %add3A_122 = arith.addi %add3A_121, %iota3A : vector<16xi32>
      %min3A = arith.constant 440 : i32
      %min3A_123 = vector.broadcast %min3A : i32 to vector<16xi32>
      %min3A_124 = arith.minsi %add3A_122, %min3A_123 : vector<16xi32>
      %mul3A_125 = arith.constant 3121 : i32
      %mul3A_126 = vector.broadcast %mul3A_125 : i32 to vector<16xi32>
      %mul3A_127 = arith.muli %min3A_124, %mul3A_126 : vector<16xi32>
      %shift_right_arithmetic3A = arith.constant 16 : i32
      %shift_right_arithmetic3A_128 = vector.broadcast %shift_right_arithmetic3A : i32 to vector<16xi32>
      %shift_right_arithmetic3A_129 = arith.shrsi %mul3A_127, %shift_right_arithmetic3A_128 : vector<16xi32>
      %mul3A_130 = arith.constant 21 : i32
      %mul3A_131 = vector.broadcast %mul3A_130 : i32 to vector<16xi32>
      %mul3A_132 = arith.muli %shift_right_arithmetic3A_129, %mul3A_131 : vector<16xi32>
      %sub3A = arith.subi %min3A_124, %mul3A_132 : vector<16xi32>
      %broadcast_in_dim3A = arith.constant 0 : i32
      %broadcast_in_dim3A_133 = vector.broadcast %broadcast_in_dim3A : i32 to vector<16xi32>
      %gather3A = tpu.vector_load_idx %arg7[%broadcast_in_dim3A_133, %shift_right_arithmetic3A_129] : memref<3x21xf32, #tpu.memory_space<vmem>>[vector<16xi32>, vector<16xi32>], vector<16xf32>,
      %broadcast_in_dim3A_134 = arith.constant 0 : i32
      %broadcast_in_dim3A_135 = vector.broadcast %broadcast_in_dim3A_134 : i32 to vector<16xi32>
      %gather3A_136 = tpu.vector_load_idx %arg7[%broadcast_in_dim3A_135, %sub3A] : memref<3x21xf32, #tpu.memory_space<vmem>>[vector<16xi32>, vector<16xi32>], vector<16xf32>,
      %sub3A_137 = arith.subf %gather3A, %gather3A_136 : vector<16xf32>
      %mul3A_138 = arith.mulf %sub3A_137, %sub3A_137 : vector<16xf32>
      %broadcast_in_dim3A_139 = arith.constant 1 : i32
      %broadcast_in_dim3A_140 = vector.broadcast %broadcast_in_dim3A_139 : i32 to vector<16xi32>
      %gather3A_141 = tpu.vector_load_idx %arg7[%broadcast_in_dim3A_140, %shift_right_arithmetic3A_129] : memref<3x21xf32, #tpu.memory_space<vmem>>[vector<16xi32>, vector<16xi32>], vector<16xf32>,
      %broadcast_in_dim3A_142 = arith.constant 1 : i32
      %broadcast_in_dim3A_143 = vector.broadcast %broadcast_in_dim3A_142 : i32 to vector<16xi32>
      %gather3A_144 = tpu.vector_load_idx %arg7[%broadcast_in_dim3A_143, %sub3A] : memref<3x21xf32, #tpu.memory_space<vmem>>[vector<16xi32>, vector<16xi32>], vector<16xf32>,
      %sub3A_145 = arith.subf %gather3A_141, %gather3A_144 : vector<16xf32>
      %mul3A_146 = arith.mulf %sub3A_145, %sub3A_145 : vector<16xf32>
      %add3A_147 = arith.addf %mul3A_138, %mul3A_146 : vector<16xf32>
      %broadcast_in_dim3A_148 = arith.constant 2 : i32
      %broadcast_in_dim3A_149 = vector.broadcast %broadcast_in_dim3A_148 : i32 to vector<16xi32>
      %gather3A_150 = tpu.vector_load_idx %arg7[%broadcast_in_dim3A_149, %shift_right_arithmetic3A_129] : memref<3x21xf32, #tpu.memory_space<vmem>>[vector<16xi32>, vector<16xi32>], vector<16xf32>,
      %broadcast_in_dim3A_151 = arith.constant 2 : i32
      %broadcast_in_dim3A_152 = vector.broadcast %broadcast_in_dim3A_151 : i32 to vector<16xi32>
      %gather3A_153 = tpu.vector_load_idx %arg7[%broadcast_in_dim3A_152, %sub3A] : memref<3x21xf32, #tpu.memory_space<vmem>>[vector<16xi32>, vector<16xi32>], vector<16xf32>,
      %sub3A_154 = arith.subf %gather3A_150, %gather3A_153 : vector<16xf32>
      %mul3A_155 = arith.mulf %sub3A_154, %sub3A_154 : vector<16xf32>
      %add3A_156 = arith.addf %add3A_147, %mul3A_155 : vector<16xf32>
      %bitcast3A = vector.bitcast %add3A_156 : vector<16xf32> to vector<16xi32>
      %shift_right_arithmetic3A_157 = arith.constant 1 : i32
      %shift_right_arithmetic3A_158 = vector.broadcast %shift_right_arithmetic3A_157 : i32 to vector<16xi32>
      %shift_right_arithmetic3A_159 = arith.shrsi %bitcast3A, %shift_right_arithmetic3A_158 : vector<16xi32>
      %sub3A_160 = arith.constant 1597463007 : i32
      %sub3A_161 = vector.broadcast %sub3A_160 : i32 to vector<16xi32>
      %sub3A_162 = arith.subi %sub3A_161, %shift_right_arithmetic3A_159 : vector<16xi32>
      %bitcast3A_163 = vector.bitcast %sub3A_162 : vector<16xi32> to vector<16xf32>
      %mul3A_164 = arith.constant 5.000000e-01 : f32
      %mul3A_165 = vector.broadcast %mul3A_164 : f32 to vector<16xf32>
      %mul3A_166 = arith.mulf %mul3A_165, %add3A_156 : vector<16xf32>
      %mul3A_167 = arith.mulf %mul3A_166, %bitcast3A_163 : vector<16xf32>
      %mul3A_168 = arith.mulf %mul3A_167, %bitcast3A_163 : vector<16xf32>
      %sub3A_169 = arith.constant 1.500000e+00 : f32
      %sub3A_170 = vector.broadcast %sub3A_169 : f32 to vector<16xf32>
      %sub3A_171 = arith.subf %sub3A_170, %mul3A_168 : vector<16xf32>
      %mul3A_172 = arith.mulf %bitcast3A_163, %sub3A_171 : vector<16xf32>
      %mul3A_173 = arith.constant 5.000000e-01 : f32
      %mul3A_174 = vector.broadcast %mul3A_173 : f32 to vector<16xf32>
      %mul3A_175 = arith.mulf %mul3A_174, %add3A_156 : vector<16xf32>
      %mul3A_176 = arith.mulf %mul3A_175, %mul3A_172 : vector<16xf32>
      %mul3A_177 = arith.mulf %mul3A_176, %mul3A_172 : vector<16xf32>
      %sub3A_178 = arith.constant 1.500000e+00 : f32
      %sub3A_179 = vector.broadcast %sub3A_178 : f32 to vector<16xf32>
      %sub3A_180 = arith.subf %sub3A_179, %mul3A_177 : vector<16xf32>
      %mul3A_181 = arith.mulf %mul3A_172, %sub3A_180 : vector<16xf32>
      %mul3A_182 = arith.constant 5.000000e-01 : f32
      %mul3A_183 = vector.broadcast %mul3A_182 : f32 to vector<16xf32>
      %mul3A_184 = arith.mulf %mul3A_183, %add3A_156 : vector<16xf32>
      %mul3A_185 = arith.mulf %mul3A_184, %mul3A_181 : vector<16xf32>
      %mul3A_186 = arith.mulf %mul3A_185, %mul3A_181 : vector<16xf32>
      %sub3A_187 = arith.constant 1.500000e+00 : f32
      %sub3A_188 = vector.broadcast %sub3A_187 : f32 to vector<16xf32>
      %sub3A_189 = arith.subf %sub3A_188, %mul3A_186 : vector<16xf32>
      %mul3A_190 = arith.mulf %mul3A_181, %sub3A_189 : vector<16xf32>
      %gt3A = arith.constant 0.000000e+00 : f32
      %gt3A_191 = vector.broadcast %gt3A : f32 to vector<16xf32>
      %gt3A_192 = arith.cmpf ogt, %add3A_156, %gt3A_191 : vector<16xf32>
      %mul3A_193 = arith.mulf %add3A_156, %mul3A_190 : vector<16xf32>
      %jit3A = arith.constant 0.000000e+00 : f32
      %broadcast_in_dim3A_194 = vector.broadcast %jit3A : f32 to vector<16xf32>
      %select_n3A = arith.select %gt3A_192, %mul3A_193, %broadcast_in_dim3A_194 : vector<16xi1>, vector<16xf32>
      %mul3A_195 = arith.constant -1.000000e+01 : f32
      %mul3A_196 = vector.broadcast %mul3A_195 : f32 to vector<16xf32>
      %mul3A_197 = arith.mulf %mul3A_196, %select_n3A : vector<16xf32>
      %exp3A = math.exp %mul3A_197 : vector<16xf32>
      %add3A_198 = arith.constant 1.000000e-03 : f32
      %add3A_199 = vector.broadcast %add3A_198 : f32 to vector<16xf32>
      %add3A_200 = arith.addf %exp3A, %add3A_199 : vector<16xf32>
      %mul3A_201 = arith.constant 16 : i32
      %mul3A_202 = arith.muli %scan3A_118, %mul3A_201 : i32
      %swap3A = arith.index_cast %mul3A_202 : i32 to index
      %swap3A_203 = tpu.vector_load %arg8[%swap3A] {strides = array<i32>} : memref<448xf32, #tpu.memory_space<vmem>>, vector<16xf32>,
      tpu.vector_store %arg8[%swap3A], %add3A_200 {strides = array<i32>} : memref<448xf32, #tpu.memory_space<vmem>>, vector<16xf32>,
    }
    %scan3A_14 = arith.constant 28 : i32
    %dma_wait3A = arith.constant 0 : i32
    %dma_wait3A_15 = tpu.memref_slice %arg2[%dma_wait3A, %mul3A_2] : memref<3x16384xi32, #tpu.memory_space<hbm>> -> memref<3x512xi32, #tpu.memory_space<hbm>>
    %dma_wait3A_16 = arith.constant 0 : i32
    %dma_wait3A_17 = tpu.memref_slice %arg2[%dma_wait3A_16, %mul3A_2] : memref<3x16384xi32, #tpu.memory_space<hbm>> -> memref<3x512xi32, #tpu.memory_space<hbm>>
    tpu.wait_dma2 semaphore(%arg13 : memref<!tpu.dma_semaphore, #tpu.memory_space<semaphore_mem>>) src(%dma_wait3A_17 : memref<3x512xi32, #tpu.memory_space<hbm>>) dst(%arg9 : memref<3x512xi32, #tpu.memory_space<vmem>>)
    %dma_wait3A_18 = arith.constant 0 : i32
    %dma_wait3A_19 = tpu.memref_slice %arg3[%dma_wait3A_18, %mul3A_2] : memref<9x16384xi32, #tpu.memory_space<hbm>> -> memref<9x512xi32, #tpu.memory_space<hbm>>
    %dma_wait3A_20 = arith.constant 0 : i32
    %dma_wait3A_21 = tpu.memref_slice %arg3[%dma_wait3A_20, %mul3A_2] : memref<9x16384xi32, #tpu.memory_space<hbm>> -> memref<9x512xi32, #tpu.memory_space<hbm>>
    tpu.wait_dma2 semaphore(%arg14 : memref<!tpu.dma_semaphore, #tpu.memory_space<semaphore_mem>>) src(%dma_wait3A_21 : memref<9x512xi32, #tpu.memory_space<hbm>>) dst(%arg10 : memref<9x512xi32, #tpu.memory_space<vmem>>)
    %scan3A_22 = arith.constant 0 : i32
    %scan3A_23 = arith.constant 0 : i32
    %scan3A_24 = arith.constant 16 : i32
    %scan3A_25 = arith.addi %scan3A_23, %scan3A_24 : i32
    %scan3A_26 = arith.constant 1 : i32
    scf.for %scan3A_118 = %scan3A_23 to %scan3A_25 step %scan3A_26  : i32 {
      %mul3A_119 = arith.constant 16 : i32
      %mul3A_120 = arith.muli %scan3A_118, %mul3A_119 : i32
      %get3A = arith.constant 0 : i32
      %get3A_121 = arith.index_cast %get3A : i32 to index
      %get3A_122 = arith.index_cast %mul3A_120 : i32 to index
      %get3A_123 = tpu.vector_load %arg9[%get3A_121, %get3A_122] {strides = array<i32>} : memref<3x512xi32, #tpu.memory_space<vmem>>, vector<16xi32>,
      %mul3A_124 = arith.constant 21 : i32
      %mul3A_125 = vector.broadcast %mul3A_124 : i32 to vector<16xi32>
      %mul3A_126 = arith.muli %get3A_123, %mul3A_125 : vector<16xi32>
      %get3A_127 = arith.constant 1 : i32
      %get3A_128 = arith.index_cast %get3A_127 : i32 to index
      %get3A_129 = arith.index_cast %mul3A_120 : i32 to index
      %get3A_130 = tpu.vector_load %arg9[%get3A_128, %get3A_129] {strides = array<i32>} : memref<3x512xi32, #tpu.memory_space<vmem>>, vector<16xi32>,
      %add3A_131 = arith.addi %mul3A_126, %get3A_130 : vector<16xi32>
      %gather3A = tpu.vector_load_idx %arg8[%add3A_131] : memref<448xf32, #tpu.memory_space<vmem>>[vector<16xi32>], vector<16xf32>,
      %get3A_132 = arith.constant 2 : i32
      %get3A_133 = arith.index_cast %get3A_132 : i32 to index
      %get3A_134 = arith.index_cast %mul3A_120 : i32 to index
      %get3A_135 = tpu.vector_load %arg9[%get3A_133, %get3A_134] {strides = array<i32>} : memref<3x512xi32, #tpu.memory_space<vmem>>, vector<16xi32>,
      %add3A_136 = arith.addi %mul3A_126, %get3A_135 : vector<16xi32>
      %gather3A_137 = tpu.vector_load_idx %arg8[%add3A_136] : memref<448xf32, #tpu.memory_space<vmem>>[vector<16xi32>], vector<16xf32>,
      %add3A_138 = arith.addf %gather3A, %gather3A_137 : vector<16xf32>
      %div3A = arith.constant 1.000000e+00 : f32
      %div3A_139 = vector.broadcast %div3A : f32 to vector<16xf32>
      %div3A_140 = arith.divf %div3A_139, %add3A_138 : vector<16xf32>
      %mul3A_141 = arith.mulf %gather3A, %div3A_140 : vector<16xf32>
      %swap3A = arith.constant 0 : i32
      %swap3A_142 = arith.index_cast %swap3A : i32 to index
      %swap3A_143 = arith.index_cast %mul3A_120 : i32 to index
      %swap3A_144 = tpu.vector_load %arg11[%swap3A_142, %swap3A_143] {strides = array<i32>} : memref<2x512xf32, #tpu.memory_space<vmem>>, vector<16xf32>,
      tpu.vector_store %arg11[%swap3A_142, %swap3A_143], %mul3A_141 {strides = array<i32>} : memref<2x512xf32, #tpu.memory_space<vmem>>, vector<16xf32>,
      %mul3A_145 = arith.mulf %gather3A_137, %div3A_140 : vector<16xf32>
      %swap3A_146 = arith.constant 1 : i32
      %swap3A_147 = arith.index_cast %swap3A_146 : i32 to index
      %swap3A_148 = arith.index_cast %mul3A_120 : i32 to index
      %swap3A_149 = tpu.vector_load %arg11[%swap3A_147, %swap3A_148] {strides = array<i32>} : memref<2x512xf32, #tpu.memory_space<vmem>>, vector<16xf32>,
      tpu.vector_store %arg11[%swap3A_147, %swap3A_148], %mul3A_145 {strides = array<i32>} : memref<2x512xf32, #tpu.memory_space<vmem>>, vector<16xf32>,
      %get3A_150 = arith.constant 0 : i32
      %get3A_151 = arith.index_cast %get3A_150 : i32 to index
      %get3A_152 = arith.index_cast %mul3A_120 : i32 to index
      %get3A_153 = tpu.vector_load %arg10[%get3A_151, %get3A_152] {strides = array<i32>} : memref<9x512xi32, #tpu.memory_space<vmem>>, vector<16xi32>,
      %mul3A_154 = arith.constant 21 : i32
      %mul3A_155 = vector.broadcast %mul3A_154 : i32 to vector<16xi32>
      %mul3A_156 = arith.muli %get3A_153, %mul3A_155 : vector<16xi32>
      %get3A_157 = arith.constant 1 : i32
      %get3A_158 = arith.index_cast %get3A_157 : i32 to index
      %get3A_159 = arith.index_cast %mul3A_120 : i32 to index
      %get3A_160 = tpu.vector_load %arg10[%get3A_158, %get3A_159] {strides = array<i32>} : memref<9x512xi32, #tpu.memory_space<vmem>>, vector<16xi32>,
      %add3A_161 = arith.addi %mul3A_156, %get3A_160 : vector<16xi32>
      %gather3A_162 = tpu.vector_load_idx %arg8[%add3A_161] : memref<448xf32, #tpu.memory_space<vmem>>[vector<16xi32>], vector<16xf32>,
      %get3A_163 = arith.constant 2 : i32
      %get3A_164 = arith.index_cast %get3A_163 : i32 to index
      %get3A_165 = arith.index_cast %mul3A_120 : i32 to index
      %get3A_166 = tpu.vector_load %arg10[%get3A_164, %get3A_165] {strides = array<i32>} : memref<9x512xi32, #tpu.memory_space<vmem>>, vector<16xi32>,
      %add3A_167 = arith.addi %mul3A_156, %get3A_166 : vector<16xi32>
      %gather3A_168 = tpu.vector_load_idx %arg8[%add3A_167] : memref<448xf32, #tpu.memory_space<vmem>>[vector<16xi32>], vector<16xf32>,
      %get3A_169 = arith.constant 3 : i32
      %get3A_170 = arith.index_cast %get3A_169 : i32 to index
      %get3A_171 = arith.index_cast %mul3A_120 : i32 to index
      %get3A_172 = tpu.vector_load %arg10[%get3A_170, %get3A_171] {strides = array<i32>} : memref<9x512xi32, #tpu.memory_space<vmem>>, vector<16xi32>,
      %add3A_173 = arith.addi %mul3A_156, %get3A_172 : vector<16xi32>
      %gather3A_174 = tpu.vector_load_idx %arg8[%add3A_173] : memref<448xf32, #tpu.memory_space<vmem>>[vector<16xi32>], vector<16xf32>,
      %get3A_175 = arith.constant 4 : i32
      %get3A_176 = arith.index_cast %get3A_175 : i32 to index
      %get3A_177 = arith.index_cast %mul3A_120 : i32 to index
      %get3A_178 = tpu.vector_load %arg10[%get3A_176, %get3A_177] {strides = array<i32>} : memref<9x512xi32, #tpu.memory_space<vmem>>, vector<16xi32>,
      %add3A_179 = arith.addi %mul3A_156, %get3A_178 : vector<16xi32>
      %gather3A_180 = tpu.vector_load_idx %arg8[%add3A_179] : memref<448xf32, #tpu.memory_space<vmem>>[vector<16xi32>], vector<16xf32>,
      %get3A_181 = arith.constant 5 : i32
      %get3A_182 = arith.index_cast %get3A_181 : i32 to index
      %get3A_183 = arith.index_cast %mul3A_120 : i32 to index
      %get3A_184 = tpu.vector_load %arg10[%get3A_182, %get3A_183] {strides = array<i32>} : memref<9x512xi32, #tpu.memory_space<vmem>>, vector<16xi32>,
      %add3A_185 = arith.addi %mul3A_156, %get3A_184 : vector<16xi32>
      %gather3A_186 = tpu.vector_load_idx %arg8[%add3A_185] : memref<448xf32, #tpu.memory_space<vmem>>[vector<16xi32>], vector<16xf32>,
      %get3A_187 = arith.constant 6 : i32
      %get3A_188 = arith.index_cast %get3A_187 : i32 to index
      %get3A_189 = arith.index_cast %mul3A_120 : i32 to index
      %get3A_190 = tpu.vector_load %arg10[%get3A_188, %get3A_189] {strides = array<i32>} : memref<9x512xi32, #tpu.memory_space<vmem>>, vector<16xi32>,
      %add3A_191 = arith.addi %mul3A_156, %get3A_190 : vector<16xi32>
      %gather3A_192 = tpu.vector_load_idx %arg8[%add3A_191] : memref<448xf32, #tpu.memory_space<vmem>>[vector<16xi32>], vector<16xf32>,
      %get3A_193 = arith.constant 7 : i32
      %get3A_194 = arith.index_cast %get3A_193 : i32 to index
      %get3A_195 = arith.index_cast %mul3A_120 : i32 to index
      %get3A_196 = tpu.vector_load %arg10[%get3A_194, %get3A_195] {strides = array<i32>} : memref<9x512xi32, #tpu.memory_space<vmem>>, vector<16xi32>,
      %add3A_197 = arith.addi %mul3A_156, %get3A_196 : vector<16xi32>
      %gather3A_198 = tpu.vector_load_idx %arg8[%add3A_197] : memref<448xf32, #tpu.memory_space<vmem>>[vector<16xi32>], vector<16xf32>,
      %get3A_199 = arith.constant 8 : i32
      %get3A_200 = arith.index_cast %get3A_199 : i32 to index
      %get3A_201 = arith.index_cast %mul3A_120 : i32 to index
      %get3A_202 = tpu.vector_load %arg10[%get3A_200, %get3A_201] {strides = array<i32>} : memref<9x512xi32, #tpu.memory_space<vmem>>, vector<16xi32>,
      %add3A_203 = arith.addi %mul3A_156, %get3A_202 : vector<16xi32>
      %gather3A_204 = tpu.vector_load_idx %arg8[%add3A_203] : memref<448xf32, #tpu.memory_space<vmem>>[vector<16xi32>], vector<16xf32>,
      %add3A_205 = arith.addf %gather3A_162, %gather3A_168 : vector<16xf32>
      %add3A_206 = arith.addf %add3A_205, %gather3A_174 : vector<16xf32>
      %add3A_207 = arith.addf %add3A_206, %gather3A_180 : vector<16xf32>
      %add3A_208 = arith.addf %add3A_207, %gather3A_186 : vector<16xf32>
      %add3A_209 = arith.addf %add3A_208, %gather3A_192 : vector<16xf32>
      %add3A_210 = arith.addf %add3A_209, %gather3A_198 : vector<16xf32>
      %add3A_211 = arith.addf %add3A_210, %gather3A_204 : vector<16xf32>
      %div3A_212 = arith.constant 1.000000e+00 : f32
      %div3A_213 = vector.broadcast %div3A_212 : f32 to vector<16xf32>
      %div3A_214 = arith.divf %div3A_213, %add3A_211 : vector<16xf32>
      %mul3A_215 = arith.mulf %gather3A_162, %div3A_214 : vector<16xf32>
      %sub3A = arith.subf %add3A_211, %gather3A_162 : vector<16xf32>
      %div3A_216 = arith.divf %mul3A_215, %sub3A : vector<16xf32>
      %mul3A_217 = arith.mulf %gather3A_168, %div3A_214 : vector<16xf32>
      %sub3A_218 = arith.subf %add3A_211, %gather3A_168 : vector<16xf32>
      %div3A_219 = arith.divf %mul3A_217, %sub3A_218 : vector<16xf32>
      %mul3A_220 = arith.mulf %gather3A_174, %div3A_214 : vector<16xf32>
      %sub3A_221 = arith.subf %add3A_211, %gather3A_174 : vector<16xf32>
      %div3A_222 = arith.divf %mul3A_220, %sub3A_221 : vector<16xf32>
      %mul3A_223 = arith.mulf %gather3A_180, %div3A_214 : vector<16xf32>
      %sub3A_224 = arith.subf %add3A_211, %gather3A_180 : vector<16xf32>
      %div3A_225 = arith.divf %mul3A_223, %sub3A_224 : vector<16xf32>
      %mul3A_226 = arith.mulf %gather3A_186, %div3A_214 : vector<16xf32>
      %sub3A_227 = arith.subf %add3A_211, %gather3A_186 : vector<16xf32>
      %div3A_228 = arith.divf %mul3A_226, %sub3A_227 : vector<16xf32>
      %mul3A_229 = arith.mulf %gather3A_192, %div3A_214 : vector<16xf32>
      %sub3A_230 = arith.subf %add3A_211, %gather3A_192 : vector<16xf32>
      %div3A_231 = arith.divf %mul3A_229, %sub3A_230 : vector<16xf32>
      %mul3A_232 = arith.mulf %gather3A_198, %div3A_214 : vector<16xf32>
      %sub3A_233 = arith.subf %add3A_211, %gather3A_198 : vector<16xf32>
      %div3A_234 = arith.divf %mul3A_232, %sub3A_233 : vector<16xf32>
      %mul3A_235 = arith.mulf %gather3A_204, %div3A_214 : vector<16xf32>
      %sub3A_236 = arith.subf %add3A_211, %gather3A_204 : vector<16xf32>
      %div3A_237 = arith.divf %mul3A_235, %sub3A_236 : vector<16xf32>
      %mul3A_238 = arith.mulf %div3A_216, %gather3A_168 : vector<16xf32>
      %swap3A_239 = arith.constant 0 : i32
      %swap3A_240 = arith.index_cast %swap3A_239 : i32 to index
      %swap3A_241 = arith.index_cast %mul3A_120 : i32 to index
      %swap3A_242 = tpu.vector_load %arg12[%swap3A_240, %swap3A_241] {strides = array<i32>} : memref<56x512xf32, #tpu.memory_space<vmem>>, vector<16xf32>,
      tpu.vector_store %arg12[%swap3A_240, %swap3A_241], %mul3A_238 {strides = array<i32>} : memref<56x512xf32, #tpu.memory_space<vmem>>, vector<16xf32>,
      %mul3A_243 = arith.mulf %div3A_216, %gather3A_174 : vector<16xf32>
      %swap3A_244 = arith.constant 1 : i32
      %swap3A_245 = arith.index_cast %swap3A_244 : i32 to index
      %swap3A_246 = arith.index_cast %mul3A_120 : i32 to index
      %swap3A_247 = tpu.vector_load %arg12[%swap3A_245, %swap3A_246] {strides = array<i32>} : memref<56x512xf32, #tpu.memory_space<vmem>>, vector<16xf32>,
      tpu.vector_store %arg12[%swap3A_245, %swap3A_246], %mul3A_243 {strides = array<i32>} : memref<56x512xf32, #tpu.memory_space<vmem>>, vector<16xf32>,
      %mul3A_248 = arith.mulf %div3A_216, %gather3A_180 : vector<16xf32>
      %swap3A_249 = arith.constant 2 : i32
      %swap3A_250 = arith.index_cast %swap3A_249 : i32 to index
      %swap3A_251 = arith.index_cast %mul3A_120 : i32 to index
      %swap3A_252 = tpu.vector_load %arg12[%swap3A_250, %swap3A_251] {strides = array<i32>} : memref<56x512xf32, #tpu.memory_space<vmem>>, vector<16xf32>,
      tpu.vector_store %arg12[%swap3A_250, %swap3A_251], %mul3A_248 {strides = array<i32>} : memref<56x512xf32, #tpu.memory_space<vmem>>, vector<16xf32>,
      %mul3A_253 = arith.mulf %div3A_216, %gather3A_186 : vector<16xf32>
      %swap3A_254 = arith.constant 3 : i32
      %swap3A_255 = arith.index_cast %swap3A_254 : i32 to index
      %swap3A_256 = arith.index_cast %mul3A_120 : i32 to index
      %swap3A_257 = tpu.vector_load %arg12[%swap3A_255, %swap3A_256] {strides = array<i32>} : memref<56x512xf32, #tpu.memory_space<vmem>>, vector<16xf32>,
      tpu.vector_store %arg12[%swap3A_255, %swap3A_256], %mul3A_253 {strides = array<i32>} : memref<56x512xf32, #tpu.memory_space<vmem>>, vector<16xf32>,
      %mul3A_258 = arith.mulf %div3A_216, %gather3A_192 : vector<16xf32>
      %swap3A_259 = arith.constant 4 : i32
      %swap3A_260 = arith.index_cast %swap3A_259 : i32 to index
      %swap3A_261 = arith.index_cast %mul3A_120 : i32 to index
      %swap3A_262 = tpu.vector_load %arg12[%swap3A_260, %swap3A_261] {strides = array<i32>} : memref<56x512xf32, #tpu.memory_space<vmem>>, vector<16xf32>,
      tpu.vector_store %arg12[%swap3A_260, %swap3A_261], %mul3A_258 {strides = array<i32>} : memref<56x512xf32, #tpu.memory_space<vmem>>, vector<16xf32>,
      %mul3A_263 = arith.mulf %div3A_216, %gather3A_198 : vector<16xf32>
      %swap3A_264 = arith.constant 5 : i32
      %swap3A_265 = arith.index_cast %swap3A_264 : i32 to index
      %swap3A_266 = arith.index_cast %mul3A_120 : i32 to index
      %swap3A_267 = tpu.vector_load %arg12[%swap3A_265, %swap3A_266] {strides = array<i32>} : memref<56x512xf32, #tpu.memory_space<vmem>>, vector<16xf32>,
      tpu.vector_store %arg12[%swap3A_265, %swap3A_266], %mul3A_263 {strides = array<i32>} : memref<56x512xf32, #tpu.memory_space<vmem>>, vector<16xf32>,
      %mul3A_268 = arith.mulf %div3A_216, %gather3A_204 : vector<16xf32>
      %swap3A_269 = arith.constant 6 : i32
      %swap3A_270 = arith.index_cast %swap3A_269 : i32 to index
      %swap3A_271 = arith.index_cast %mul3A_120 : i32 to index
      %swap3A_272 = tpu.vector_load %arg12[%swap3A_270, %swap3A_271] {strides = array<i32>} : memref<56x512xf32, #tpu.memory_space<vmem>>, vector<16xf32>,
      tpu.vector_store %arg12[%swap3A_270, %swap3A_271], %mul3A_268 {strides = array<i32>} : memref<56x512xf32, #tpu.memory_space<vmem>>, vector<16xf32>,
      %mul3A_273 = arith.mulf %div3A_219, %gather3A_162 : vector<16xf32>
      %swap3A_274 = arith.constant 7 : i32
      %swap3A_275 = arith.index_cast %swap3A_274 : i32 to index
      %swap3A_276 = arith.index_cast %mul3A_120 : i32 to index
      %swap3A_277 = tpu.vector_load %arg12[%swap3A_275, %swap3A_276] {strides = array<i32>} : memref<56x512xf32, #tpu.memory_space<vmem>>, vector<16xf32>,
      tpu.vector_store %arg12[%swap3A_275, %swap3A_276], %mul3A_273 {strides = array<i32>} : memref<56x512xf32, #tpu.memory_space<vmem>>, vector<16xf32>,
      %mul3A_278 = arith.mulf %div3A_219, %gather3A_174 : vector<16xf32>
      %swap3A_279 = arith.constant 8 : i32
      %swap3A_280 = arith.index_cast %swap3A_279 : i32 to index
      %swap3A_281 = arith.index_cast %mul3A_120 : i32 to index
      %swap3A_282 = tpu.vector_load %arg12[%swap3A_280, %swap3A_281] {strides = array<i32>} : memref<56x512xf32, #tpu.memory_space<vmem>>, vector<16xf32>,
      tpu.vector_store %arg12[%swap3A_280, %swap3A_281], %mul3A_278 {strides = array<i32>} : memref<56x512xf32, #tpu.memory_space<vmem>>, vector<16xf32>,
      %mul3A_283 = arith.mulf %div3A_219, %gather3A_180 : vector<16xf32>
      %swap3A_284 = arith.constant 9 : i32
      %swap3A_285 = arith.index_cast %swap3A_284 : i32 to index
      %swap3A_286 = arith.index_cast %mul3A_120 : i32 to index
      %swap3A_287 = tpu.vector_load %arg12[%swap3A_285, %swap3A_286] {strides = array<i32>} : memref<56x512xf32, #tpu.memory_space<vmem>>, vector<16xf32>,
      tpu.vector_store %arg12[%swap3A_285, %swap3A_286], %mul3A_283 {strides = array<i32>} : memref<56x512xf32, #tpu.memory_space<vmem>>, vector<16xf32>,
      %mul3A_288 = arith.mulf %div3A_219, %gather3A_186 : vector<16xf32>
      %swap3A_289 = arith.constant 10 : i32
      %swap3A_290 = arith.index_cast %swap3A_289 : i32 to index
      %swap3A_291 = arith.index_cast %mul3A_120 : i32 to index
      %swap3A_292 = tpu.vector_load %arg12[%swap3A_290, %swap3A_291] {strides = array<i32>} : memref<56x512xf32, #tpu.memory_space<vmem>>, vector<16xf32>,
      tpu.vector_store %arg12[%swap3A_290, %swap3A_291], %mul3A_288 {strides = array<i32>} : memref<56x512xf32, #tpu.memory_space<vmem>>, vector<16xf32>,
      %mul3A_293 = arith.mulf %div3A_219, %gather3A_192 : vector<16xf32>
      %swap3A_294 = arith.constant 11 : i32
      %swap3A_295 = arith.index_cast %swap3A_294 : i32 to index
      %swap3A_296 = arith.index_cast %mul3A_120 : i32 to index
      %swap3A_297 = tpu.vector_load %arg12[%swap3A_295, %swap3A_296] {strides = array<i32>} : memref<56x512xf32, #tpu.memory_space<vmem>>, vector<16xf32>,
      tpu.vector_store %arg12[%swap3A_295, %swap3A_296], %mul3A_293 {strides = array<i32>} : memref<56x512xf32, #tpu.memory_space<vmem>>, vector<16xf32>,
      %mul3A_298 = arith.mulf %div3A_219, %gather3A_198 : vector<16xf32>
      %swap3A_299 = arith.constant 12 : i32
      %swap3A_300 = arith.index_cast %swap3A_299 : i32 to index
      %swap3A_301 = arith.index_cast %mul3A_120 : i32 to index
      %swap3A_302 = tpu.vector_load %arg12[%swap3A_300, %swap3A_301] {strides = array<i32>} : memref<56x512xf32, #tpu.memory_space<vmem>>, vector<16xf32>,
      tpu.vector_store %arg12[%swap3A_300, %swap3A_301], %mul3A_298 {strides = array<i32>} : memref<56x512xf32, #tpu.memory_space<vmem>>, vector<16xf32>,
      %mul3A_303 = arith.mulf %div3A_219, %gather3A_204 : vector<16xf32>
      %swap3A_304 = arith.constant 13 : i32
      %swap3A_305 = arith.index_cast %swap3A_304 : i32 to index
      %swap3A_306 = arith.index_cast %mul3A_120 : i32 to index
      %swap3A_307 = tpu.vector_load %arg12[%swap3A_305, %swap3A_306] {strides = array<i32>} : memref<56x512xf32, #tpu.memory_space<vmem>>, vector<16xf32>,
      tpu.vector_store %arg12[%swap3A_305, %swap3A_306], %mul3A_303 {strides = array<i32>} : memref<56x512xf32, #tpu.memory_space<vmem>>, vector<16xf32>,
      %mul3A_308 = arith.mulf %div3A_222, %gather3A_162 : vector<16xf32>
      %swap3A_309 = arith.constant 14 : i32
      %swap3A_310 = arith.index_cast %swap3A_309 : i32 to index
      %swap3A_311 = arith.index_cast %mul3A_120 : i32 to index
      %swap3A_312 = tpu.vector_load %arg12[%swap3A_310, %swap3A_311] {strides = array<i32>} : memref<56x512xf32, #tpu.memory_space<vmem>>, vector<16xf32>,
      tpu.vector_store %arg12[%swap3A_310, %swap3A_311], %mul3A_308 {strides = array<i32>} : memref<56x512xf32, #tpu.memory_space<vmem>>, vector<16xf32>,
      %mul3A_313 = arith.mulf %div3A_222, %gather3A_168 : vector<16xf32>
      %swap3A_314 = arith.constant 15 : i32
      %swap3A_315 = arith.index_cast %swap3A_314 : i32 to index
      %swap3A_316 = arith.index_cast %mul3A_120 : i32 to index
      %swap3A_317 = tpu.vector_load %arg12[%swap3A_315, %swap3A_316] {strides = array<i32>} : memref<56x512xf32, #tpu.memory_space<vmem>>, vector<16xf32>,
      tpu.vector_store %arg12[%swap3A_315, %swap3A_316], %mul3A_313 {strides = array<i32>} : memref<56x512xf32, #tpu.memory_space<vmem>>, vector<16xf32>,
      %mul3A_318 = arith.mulf %div3A_222, %gather3A_180 : vector<16xf32>
      %swap3A_319 = arith.constant 16 : i32
      %swap3A_320 = arith.index_cast %swap3A_319 : i32 to index
      %swap3A_321 = arith.index_cast %mul3A_120 : i32 to index
      %swap3A_322 = tpu.vector_load %arg12[%swap3A_320, %swap3A_321] {strides = array<i32>} : memref<56x512xf32, #tpu.memory_space<vmem>>, vector<16xf32>,
      tpu.vector_store %arg12[%swap3A_320, %swap3A_321], %mul3A_318 {strides = array<i32>} : memref<56x512xf32, #tpu.memory_space<vmem>>, vector<16xf32>,
      %mul3A_323 = arith.mulf %div3A_222, %gather3A_186 : vector<16xf32>
      %swap3A_324 = arith.constant 17 : i32
      %swap3A_325 = arith.index_cast %swap3A_324 : i32 to index
      %swap3A_326 = arith.index_cast %mul3A_120 : i32 to index
      %swap3A_327 = tpu.vector_load %arg12[%swap3A_325, %swap3A_326] {strides = array<i32>} : memref<56x512xf32, #tpu.memory_space<vmem>>, vector<16xf32>,
      tpu.vector_store %arg12[%swap3A_325, %swap3A_326], %mul3A_323 {strides = array<i32>} : memref<56x512xf32, #tpu.memory_space<vmem>>, vector<16xf32>,
      %mul3A_328 = arith.mulf %div3A_222, %gather3A_192 : vector<16xf32>
      %swap3A_329 = arith.constant 18 : i32
      %swap3A_330 = arith.index_cast %swap3A_329 : i32 to index
      %swap3A_331 = arith.index_cast %mul3A_120 : i32 to index
      %swap3A_332 = tpu.vector_load %arg12[%swap3A_330, %swap3A_331] {strides = array<i32>} : memref<56x512xf32, #tpu.memory_space<vmem>>, vector<16xf32>,
      tpu.vector_store %arg12[%swap3A_330, %swap3A_331], %mul3A_328 {strides = array<i32>} : memref<56x512xf32, #tpu.memory_space<vmem>>, vector<16xf32>,
      %mul3A_333 = arith.mulf %div3A_222, %gather3A_198 : vector<16xf32>
      %swap3A_334 = arith.constant 19 : i32
      %swap3A_335 = arith.index_cast %swap3A_334 : i32 to index
      %swap3A_336 = arith.index_cast %mul3A_120 : i32 to index
      %swap3A_337 = tpu.vector_load %arg12[%swap3A_335, %swap3A_336] {strides = array<i32>} : memref<56x512xf32, #tpu.memory_space<vmem>>, vector<16xf32>,
      tpu.vector_store %arg12[%swap3A_335, %swap3A_336], %mul3A_333 {strides = array<i32>} : memref<56x512xf32, #tpu.memory_space<vmem>>, vector<16xf32>,
      %mul3A_338 = arith.mulf %div3A_222, %gather3A_204 : vector<16xf32>
      %swap3A_339 = arith.constant 20 : i32
      %swap3A_340 = arith.index_cast %swap3A_339 : i32 to index
      %swap3A_341 = arith.index_cast %mul3A_120 : i32 to index
      %swap3A_342 = tpu.vector_load %arg12[%swap3A_340, %swap3A_341] {strides = array<i32>} : memref<56x512xf32, #tpu.memory_space<vmem>>, vector<16xf32>,
      tpu.vector_store %arg12[%swap3A_340, %swap3A_341], %mul3A_338 {strides = array<i32>} : memref<56x512xf32, #tpu.memory_space<vmem>>, vector<16xf32>,
      %mul3A_343 = arith.mulf %div3A_225, %gather3A_162 : vector<16xf32>
      %swap3A_344 = arith.constant 21 : i32
      %swap3A_345 = arith.index_cast %swap3A_344 : i32 to index
      %swap3A_346 = arith.index_cast %mul3A_120 : i32 to index
      %swap3A_347 = tpu.vector_load %arg12[%swap3A_345, %swap3A_346] {strides = array<i32>} : memref<56x512xf32, #tpu.memory_space<vmem>>, vector<16xf32>,
      tpu.vector_store %arg12[%swap3A_345, %swap3A_346], %mul3A_343 {strides = array<i32>} : memref<56x512xf32, #tpu.memory_space<vmem>>, vector<16xf32>,
      %mul3A_348 = arith.mulf %div3A_225, %gather3A_168 : vector<16xf32>
      %swap3A_349 = arith.constant 22 : i32
      %swap3A_350 = arith.index_cast %swap3A_349 : i32 to index
      %swap3A_351 = arith.index_cast %mul3A_120 : i32 to index
      %swap3A_352 = tpu.vector_load %arg12[%swap3A_350, %swap3A_351] {strides = array<i32>} : memref<56x512xf32, #tpu.memory_space<vmem>>, vector<16xf32>,
      tpu.vector_store %arg12[%swap3A_350, %swap3A_351], %mul3A_348 {strides = array<i32>} : memref<56x512xf32, #tpu.memory_space<vmem>>, vector<16xf32>,
      %mul3A_353 = arith.mulf %div3A_225, %gather3A_174 : vector<16xf32>
      %swap3A_354 = arith.constant 23 : i32
      %swap3A_355 = arith.index_cast %swap3A_354 : i32 to index
      %swap3A_356 = arith.index_cast %mul3A_120 : i32 to index
      %swap3A_357 = tpu.vector_load %arg12[%swap3A_355, %swap3A_356] {strides = array<i32>} : memref<56x512xf32, #tpu.memory_space<vmem>>, vector<16xf32>,
      tpu.vector_store %arg12[%swap3A_355, %swap3A_356], %mul3A_353 {strides = array<i32>} : memref<56x512xf32, #tpu.memory_space<vmem>>, vector<16xf32>,
      %mul3A_358 = arith.mulf %div3A_225, %gather3A_186 : vector<16xf32>
      %swap3A_359 = arith.constant 24 : i32
      %swap3A_360 = arith.index_cast %swap3A_359 : i32 to index
      %swap3A_361 = arith.index_cast %mul3A_120 : i32 to index
      %swap3A_362 = tpu.vector_load %arg12[%swap3A_360, %swap3A_361] {strides = array<i32>} : memref<56x512xf32, #tpu.memory_space<vmem>>, vector<16xf32>,
      tpu.vector_store %arg12[%swap3A_360, %swap3A_361], %mul3A_358 {strides = array<i32>} : memref<56x512xf32, #tpu.memory_space<vmem>>, vector<16xf32>,
      %mul3A_363 = arith.mulf %div3A_225, %gather3A_192 : vector<16xf32>
      %swap3A_364 = arith.constant 25 : i32
      %swap3A_365 = arith.index_cast %swap3A_364 : i32 to index
      %swap3A_366 = arith.index_cast %mul3A_120 : i32 to index
      %swap3A_367 = tpu.vector_load %arg12[%swap3A_365, %swap3A_366] {strides = array<i32>} : memref<56x512xf32, #tpu.memory_space<vmem>>, vector<16xf32>,
      tpu.vector_store %arg12[%swap3A_365, %swap3A_366], %mul3A_363 {strides = array<i32>} : memref<56x512xf32, #tpu.memory_space<vmem>>, vector<16xf32>,
      %mul3A_368 = arith.mulf %div3A_225, %gather3A_198 : vector<16xf32>
      %swap3A_369 = arith.constant 26 : i32
      %swap3A_370 = arith.index_cast %swap3A_369 : i32 to index
      %swap3A_371 = arith.index_cast %mul3A_120 : i32 to index
      %swap3A_372 = tpu.vector_load %arg12[%swap3A_370, %swap3A_371] {strides = array<i32>} : memref<56x512xf32, #tpu.memory_space<vmem>>, vector<16xf32>,
      tpu.vector_store %arg12[%swap3A_370, %swap3A_371], %mul3A_368 {strides = array<i32>} : memref<56x512xf32, #tpu.memory_space<vmem>>, vector<16xf32>,
      %mul3A_373 = arith.mulf %div3A_225, %gather3A_204 : vector<16xf32>
      %swap3A_374 = arith.constant 27 : i32
      %swap3A_375 = arith.index_cast %swap3A_374 : i32 to index
      %swap3A_376 = arith.index_cast %mul3A_120 : i32 to index
      %swap3A_377 = tpu.vector_load %arg12[%swap3A_375, %swap3A_376] {strides = array<i32>} : memref<56x512xf32, #tpu.memory_space<vmem>>, vector<16xf32>,
      tpu.vector_store %arg12[%swap3A_375, %swap3A_376], %mul3A_373 {strides = array<i32>} : memref<56x512xf32, #tpu.memory_space<vmem>>, vector<16xf32>,
      %mul3A_378 = arith.mulf %div3A_228, %gather3A_162 : vector<16xf32>
      %swap3A_379 = arith.constant 28 : i32
      %swap3A_380 = arith.index_cast %swap3A_379 : i32 to index
      %swap3A_381 = arith.index_cast %mul3A_120 : i32 to index
      %swap3A_382 = tpu.vector_load %arg12[%swap3A_380, %swap3A_381] {strides = array<i32>} : memref<56x512xf32, #tpu.memory_space<vmem>>, vector<16xf32>,
      tpu.vector_store %arg12[%swap3A_380, %swap3A_381], %mul3A_378 {strides = array<i32>} : memref<56x512xf32, #tpu.memory_space<vmem>>, vector<16xf32>,
      %mul3A_383 = arith.mulf %div3A_228, %gather3A_168 : vector<16xf32>
      %swap3A_384 = arith.constant 29 : i32
      %swap3A_385 = arith.index_cast %swap3A_384 : i32 to index
      %swap3A_386 = arith.index_cast %mul3A_120 : i32 to index
      %swap3A_387 = tpu.vector_load %arg12[%swap3A_385, %swap3A_386] {strides = array<i32>} : memref<56x512xf32, #tpu.memory_space<vmem>>, vector<16xf32>,
      tpu.vector_store %arg12[%swap3A_385, %swap3A_386], %mul3A_383 {strides = array<i32>} : memref<56x512xf32, #tpu.memory_space<vmem>>, vector<16xf32>,
      %mul3A_388 = arith.mulf %div3A_228, %gather3A_174 : vector<16xf32>
      %swap3A_389 = arith.constant 30 : i32
      %swap3A_390 = arith.index_cast %swap3A_389 : i32 to index
      %swap3A_391 = arith.index_cast %mul3A_120 : i32 to index
      %swap3A_392 = tpu.vector_load %arg12[%swap3A_390, %swap3A_391] {strides = array<i32>} : memref<56x512xf32, #tpu.memory_space<vmem>>, vector<16xf32>,
      tpu.vector_store %arg12[%swap3A_390, %swap3A_391], %mul3A_388 {strides = array<i32>} : memref<56x512xf32, #tpu.memory_space<vmem>>, vector<16xf32>,
      %mul3A_393 = arith.mulf %div3A_228, %gather3A_180 : vector<16xf32>
      %swap3A_394 = arith.constant 31 : i32
      %swap3A_395 = arith.index_cast %swap3A_394 : i32 to index
      %swap3A_396 = arith.index_cast %mul3A_120 : i32 to index
      %swap3A_397 = tpu.vector_load %arg12[%swap3A_395, %swap3A_396] {strides = array<i32>} : memref<56x512xf32, #tpu.memory_space<vmem>>, vector<16xf32>,
      tpu.vector_store %arg12[%swap3A_395, %swap3A_396], %mul3A_393 {strides = array<i32>} : memref<56x512xf32, #tpu.memory_space<vmem>>, vector<16xf32>,
      %mul3A_398 = arith.mulf %div3A_228, %gather3A_192 : vector<16xf32>
      %swap3A_399 = arith.constant 32 : i32
      %swap3A_400 = arith.index_cast %swap3A_399 : i32 to index
      %swap3A_401 = arith.index_cast %mul3A_120 : i32 to index
      %swap3A_402 = tpu.vector_load %arg12[%swap3A_400, %swap3A_401] {strides = array<i32>} : memref<56x512xf32, #tpu.memory_space<vmem>>, vector<16xf32>,
      tpu.vector_store %arg12[%swap3A_400, %swap3A_401], %mul3A_398 {strides = array<i32>} : memref<56x512xf32, #tpu.memory_space<vmem>>, vector<16xf32>,
      %mul3A_403 = arith.mulf %div3A_228, %gather3A_198 : vector<16xf32>
      %swap3A_404 = arith.constant 33 : i32
      %swap3A_405 = arith.index_cast %swap3A_404 : i32 to index
      %swap3A_406 = arith.index_cast %mul3A_120 : i32 to index
      %swap3A_407 = tpu.vector_load %arg12[%swap3A_405, %swap3A_406] {strides = array<i32>} : memref<56x512xf32, #tpu.memory_space<vmem>>, vector<16xf32>,
      tpu.vector_store %arg12[%swap3A_405, %swap3A_406], %mul3A_403 {strides = array<i32>} : memref<56x512xf32, #tpu.memory_space<vmem>>, vector<16xf32>,
      %mul3A_408 = arith.mulf %div3A_228, %gather3A_204 : vector<16xf32>
      %swap3A_409 = arith.constant 34 : i32
      %swap3A_410 = arith.index_cast %swap3A_409 : i32 to index
      %swap3A_411 = arith.index_cast %mul3A_120 : i32 to index
      %swap3A_412 = tpu.vector_load %arg12[%swap3A_410, %swap3A_411] {strides = array<i32>} : memref<56x512xf32, #tpu.memory_space<vmem>>, vector<16xf32>,
      tpu.vector_store %arg12[%swap3A_410, %swap3A_411], %mul3A_408 {strides = array<i32>} : memref<56x512xf32, #tpu.memory_space<vmem>>, vector<16xf32>,
      %mul3A_413 = arith.mulf %div3A_231, %gather3A_162 : vector<16xf32>
      %swap3A_414 = arith.constant 35 : i32
      %swap3A_415 = arith.index_cast %swap3A_414 : i32 to index
      %swap3A_416 = arith.index_cast %mul3A_120 : i32 to index
      %swap3A_417 = tpu.vector_load %arg12[%swap3A_415, %swap3A_416] {strides = array<i32>} : memref<56x512xf32, #tpu.memory_space<vmem>>, vector<16xf32>,
      tpu.vector_store %arg12[%swap3A_415, %swap3A_416], %mul3A_413 {strides = array<i32>} : memref<56x512xf32, #tpu.memory_space<vmem>>, vector<16xf32>,
      %mul3A_418 = arith.mulf %div3A_231, %gather3A_168 : vector<16xf32>
      %swap3A_419 = arith.constant 36 : i32
      %swap3A_420 = arith.index_cast %swap3A_419 : i32 to index
      %swap3A_421 = arith.index_cast %mul3A_120 : i32 to index
      %swap3A_422 = tpu.vector_load %arg12[%swap3A_420, %swap3A_421] {strides = array<i32>} : memref<56x512xf32, #tpu.memory_space<vmem>>, vector<16xf32>,
      tpu.vector_store %arg12[%swap3A_420, %swap3A_421], %mul3A_418 {strides = array<i32>} : memref<56x512xf32, #tpu.memory_space<vmem>>, vector<16xf32>,
      %mul3A_423 = arith.mulf %div3A_231, %gather3A_174 : vector<16xf32>
      %swap3A_424 = arith.constant 37 : i32
      %swap3A_425 = arith.index_cast %swap3A_424 : i32 to index
      %swap3A_426 = arith.index_cast %mul3A_120 : i32 to index
      %swap3A_427 = tpu.vector_load %arg12[%swap3A_425, %swap3A_426] {strides = array<i32>} : memref<56x512xf32, #tpu.memory_space<vmem>>, vector<16xf32>,
      tpu.vector_store %arg12[%swap3A_425, %swap3A_426], %mul3A_423 {strides = array<i32>} : memref<56x512xf32, #tpu.memory_space<vmem>>, vector<16xf32>,
      %mul3A_428 = arith.mulf %div3A_231, %gather3A_180 : vector<16xf32>
      %swap3A_429 = arith.constant 38 : i32
      %swap3A_430 = arith.index_cast %swap3A_429 : i32 to index
      %swap3A_431 = arith.index_cast %mul3A_120 : i32 to index
      %swap3A_432 = tpu.vector_load %arg12[%swap3A_430, %swap3A_431] {strides = array<i32>} : memref<56x512xf32, #tpu.memory_space<vmem>>, vector<16xf32>,
      tpu.vector_store %arg12[%swap3A_430, %swap3A_431], %mul3A_428 {strides = array<i32>} : memref<56x512xf32, #tpu.memory_space<vmem>>, vector<16xf32>,
      %mul3A_433 = arith.mulf %div3A_231, %gather3A_186 : vector<16xf32>
      %swap3A_434 = arith.constant 39 : i32
      %swap3A_435 = arith.index_cast %swap3A_434 : i32 to index
      %swap3A_436 = arith.index_cast %mul3A_120 : i32 to index
      %swap3A_437 = tpu.vector_load %arg12[%swap3A_435, %swap3A_436] {strides = array<i32>} : memref<56x512xf32, #tpu.memory_space<vmem>>, vector<16xf32>,
      tpu.vector_store %arg12[%swap3A_435, %swap3A_436], %mul3A_433 {strides = array<i32>} : memref<56x512xf32, #tpu.memory_space<vmem>>, vector<16xf32>,
      %mul3A_438 = arith.mulf %div3A_231, %gather3A_198 : vector<16xf32>
      %swap3A_439 = arith.constant 40 : i32
      %swap3A_440 = arith.index_cast %swap3A_439 : i32 to index
      %swap3A_441 = arith.index_cast %mul3A_120 : i32 to index
      %swap3A_442 = tpu.vector_load %arg12[%swap3A_440, %swap3A_441] {strides = array<i32>} : memref<56x512xf32, #tpu.memory_space<vmem>>, vector<16xf32>,
      tpu.vector_store %arg12[%swap3A_440, %swap3A_441], %mul3A_438 {strides = array<i32>} : memref<56x512xf32, #tpu.memory_space<vmem>>, vector<16xf32>,
      %mul3A_443 = arith.mulf %div3A_231, %gather3A_204 : vector<16xf32>
      %swap3A_444 = arith.constant 41 : i32
      %swap3A_445 = arith.index_cast %swap3A_444 : i32 to index
      %swap3A_446 = arith.index_cast %mul3A_120 : i32 to index
      %swap3A_447 = tpu.vector_load %arg12[%swap3A_445, %swap3A_446] {strides = array<i32>} : memref<56x512xf32, #tpu.memory_space<vmem>>, vector<16xf32>,
      tpu.vector_store %arg12[%swap3A_445, %swap3A_446], %mul3A_443 {strides = array<i32>} : memref<56x512xf32, #tpu.memory_space<vmem>>, vector<16xf32>,
      %mul3A_448 = arith.mulf %div3A_234, %gather3A_162 : vector<16xf32>
      %swap3A_449 = arith.constant 42 : i32
      %swap3A_450 = arith.index_cast %swap3A_449 : i32 to index
      %swap3A_451 = arith.index_cast %mul3A_120 : i32 to index
      %swap3A_452 = tpu.vector_load %arg12[%swap3A_450, %swap3A_451] {strides = array<i32>} : memref<56x512xf32, #tpu.memory_space<vmem>>, vector<16xf32>,
      tpu.vector_store %arg12[%swap3A_450, %swap3A_451], %mul3A_448 {strides = array<i32>} : memref<56x512xf32, #tpu.memory_space<vmem>>, vector<16xf32>,
      %mul3A_453 = arith.mulf %div3A_234, %gather3A_168 : vector<16xf32>
      %swap3A_454 = arith.constant 43 : i32
      %swap3A_455 = arith.index_cast %swap3A_454 : i32 to index
      %swap3A_456 = arith.index_cast %mul3A_120 : i32 to index
      %swap3A_457 = tpu.vector_load %arg12[%swap3A_455, %swap3A_456] {strides = array<i32>} : memref<56x512xf32, #tpu.memory_space<vmem>>, vector<16xf32>,
      tpu.vector_store %arg12[%swap3A_455, %swap3A_456], %mul3A_453 {strides = array<i32>} : memref<56x512xf32, #tpu.memory_space<vmem>>, vector<16xf32>,
      %mul3A_458 = arith.mulf %div3A_234, %gather3A_174 : vector<16xf32>
      %swap3A_459 = arith.constant 44 : i32
      %swap3A_460 = arith.index_cast %swap3A_459 : i32 to index
      %swap3A_461 = arith.index_cast %mul3A_120 : i32 to index
      %swap3A_462 = tpu.vector_load %arg12[%swap3A_460, %swap3A_461] {strides = array<i32>} : memref<56x512xf32, #tpu.memory_space<vmem>>, vector<16xf32>,
      tpu.vector_store %arg12[%swap3A_460, %swap3A_461], %mul3A_458 {strides = array<i32>} : memref<56x512xf32, #tpu.memory_space<vmem>>, vector<16xf32>,
      %mul3A_463 = arith.mulf %div3A_234, %gather3A_180 : vector<16xf32>
      %swap3A_464 = arith.constant 45 : i32
      %swap3A_465 = arith.index_cast %swap3A_464 : i32 to index
      %swap3A_466 = arith.index_cast %mul3A_120 : i32 to index
      %swap3A_467 = tpu.vector_load %arg12[%swap3A_465, %swap3A_466] {strides = array<i32>} : memref<56x512xf32, #tpu.memory_space<vmem>>, vector<16xf32>,
      tpu.vector_store %arg12[%swap3A_465, %swap3A_466], %mul3A_463 {strides = array<i32>} : memref<56x512xf32, #tpu.memory_space<vmem>>, vector<16xf32>,
      %mul3A_468 = arith.mulf %div3A_234, %gather3A_186 : vector<16xf32>
      %swap3A_469 = arith.constant 46 : i32
      %swap3A_470 = arith.index_cast %swap3A_469 : i32 to index
      %swap3A_471 = arith.index_cast %mul3A_120 : i32 to index
      %swap3A_472 = tpu.vector_load %arg12[%swap3A_470, %swap3A_471] {strides = array<i32>} : memref<56x512xf32, #tpu.memory_space<vmem>>, vector<16xf32>,
      tpu.vector_store %arg12[%swap3A_470, %swap3A_471], %mul3A_468 {strides = array<i32>} : memref<56x512xf32, #tpu.memory_space<vmem>>, vector<16xf32>,
      %mul3A_473 = arith.mulf %div3A_234, %gather3A_192 : vector<16xf32>
      %swap3A_474 = arith.constant 47 : i32
      %swap3A_475 = arith.index_cast %swap3A_474 : i32 to index
      %swap3A_476 = arith.index_cast %mul3A_120 : i32 to index
      %swap3A_477 = tpu.vector_load %arg12[%swap3A_475, %swap3A_476] {strides = array<i32>} : memref<56x512xf32, #tpu.memory_space<vmem>>, vector<16xf32>,
      tpu.vector_store %arg12[%swap3A_475, %swap3A_476], %mul3A_473 {strides = array<i32>} : memref<56x512xf32, #tpu.memory_space<vmem>>, vector<16xf32>,
      %mul3A_478 = arith.mulf %div3A_234, %gather3A_204 : vector<16xf32>
      %swap3A_479 = arith.constant 48 : i32
      %swap3A_480 = arith.index_cast %swap3A_479 : i32 to index
      %swap3A_481 = arith.index_cast %mul3A_120 : i32 to index
      %swap3A_482 = tpu.vector_load %arg12[%swap3A_480, %swap3A_481] {strides = array<i32>} : memref<56x512xf32, #tpu.memory_space<vmem>>, vector<16xf32>,
      tpu.vector_store %arg12[%swap3A_480, %swap3A_481], %mul3A_478 {strides = array<i32>} : memref<56x512xf32, #tpu.memory_space<vmem>>, vector<16xf32>,
      %mul3A_483 = arith.mulf %div3A_237, %gather3A_162 : vector<16xf32>
      %swap3A_484 = arith.constant 49 : i32
      %swap3A_485 = arith.index_cast %swap3A_484 : i32 to index
      %swap3A_486 = arith.index_cast %mul3A_120 : i32 to index
      %swap3A_487 = tpu.vector_load %arg12[%swap3A_485, %swap3A_486] {strides = array<i32>} : memref<56x512xf32, #tpu.memory_space<vmem>>, vector<16xf32>,
      tpu.vector_store %arg12[%swap3A_485, %swap3A_486], %mul3A_483 {strides = array<i32>} : memref<56x512xf32, #tpu.memory_space<vmem>>, vector<16xf32>,
      %mul3A_488 = arith.mulf %div3A_237, %gather3A_168 : vector<16xf32>
      %swap3A_489 = arith.constant 50 : i32
      %swap3A_490 = arith.index_cast %swap3A_489 : i32 to index
      %swap3A_491 = arith.index_cast %mul3A_120 : i32 to index
      %swap3A_492 = tpu.vector_load %arg12[%swap3A_490, %swap3A_491] {strides = array<i32>} : memref<56x512xf32, #tpu.memory_space<vmem>>, vector<16xf32>,
      tpu.vector_store %arg12[%swap3A_490, %swap3A_491], %mul3A_488 {strides = array<i32>} : memref<56x512xf32, #tpu.memory_space<vmem>>, vector<16xf32>,
      %mul3A_493 = arith.mulf %div3A_237, %gather3A_174 : vector<16xf32>
      %swap3A_494 = arith.constant 51 : i32
      %swap3A_495 = arith.index_cast %swap3A_494 : i32 to index
      %swap3A_496 = arith.index_cast %mul3A_120 : i32 to index
      %swap3A_497 = tpu.vector_load %arg12[%swap3A_495, %swap3A_496] {strides = array<i32>} : memref<56x512xf32, #tpu.memory_space<vmem>>, vector<16xf32>,
      tpu.vector_store %arg12[%swap3A_495, %swap3A_496], %mul3A_493 {strides = array<i32>} : memref<56x512xf32, #tpu.memory_space<vmem>>, vector<16xf32>,
      %mul3A_498 = arith.mulf %div3A_237, %gather3A_180 : vector<16xf32>
      %swap3A_499 = arith.constant 52 : i32
      %swap3A_500 = arith.index_cast %swap3A_499 : i32 to index
      %swap3A_501 = arith.index_cast %mul3A_120 : i32 to index
      %swap3A_502 = tpu.vector_load %arg12[%swap3A_500, %swap3A_501] {strides = array<i32>} : memref<56x512xf32, #tpu.memory_space<vmem>>, vector<16xf32>,
      tpu.vector_store %arg12[%swap3A_500, %swap3A_501], %mul3A_498 {strides = array<i32>} : memref<56x512xf32, #tpu.memory_space<vmem>>, vector<16xf32>,
      %mul3A_503 = arith.mulf %div3A_237, %gather3A_186 : vector<16xf32>
      %swap3A_504 = arith.constant 53 : i32
      %swap3A_505 = arith.index_cast %swap3A_504 : i32 to index
      %swap3A_506 = arith.index_cast %mul3A_120 : i32 to index
      %swap3A_507 = tpu.vector_load %arg12[%swap3A_505, %swap3A_506] {strides = array<i32>} : memref<56x512xf32, #tpu.memory_space<vmem>>, vector<16xf32>,
      tpu.vector_store %arg12[%swap3A_505, %swap3A_506], %mul3A_503 {strides = array<i32>} : memref<56x512xf32, #tpu.memory_space<vmem>>, vector<16xf32>,
      %mul3A_508 = arith.mulf %div3A_237, %gather3A_192 : vector<16xf32>
      %swap3A_509 = arith.constant 54 : i32
      %swap3A_510 = arith.index_cast %swap3A_509 : i32 to index
      %swap3A_511 = arith.index_cast %mul3A_120 : i32 to index
      %swap3A_512 = tpu.vector_load %arg12[%swap3A_510, %swap3A_511] {strides = array<i32>} : memref<56x512xf32, #tpu.memory_space<vmem>>, vector<16xf32>,
      tpu.vector_store %arg12[%swap3A_510, %swap3A_511], %mul3A_508 {strides = array<i32>} : memref<56x512xf32, #tpu.memory_space<vmem>>, vector<16xf32>,
      %mul3A_513 = arith.mulf %div3A_237, %gather3A_198 : vector<16xf32>
      %swap3A_514 = arith.constant 55 : i32
      %swap3A_515 = arith.index_cast %swap3A_514 : i32 to index
      %swap3A_516 = arith.index_cast %mul3A_120 : i32 to index
      %swap3A_517 = tpu.vector_load %arg12[%swap3A_515, %swap3A_516] {strides = array<i32>} : memref<56x512xf32, #tpu.memory_space<vmem>>, vector<16xf32>,
      tpu.vector_store %arg12[%swap3A_515, %swap3A_516], %mul3A_513 {strides = array<i32>} : memref<56x512xf32, #tpu.memory_space<vmem>>, vector<16xf32>,
    }
    %scan3A_27 = arith.constant 16 : i32
    %add3A_28 = arith.constant 0 : i32
    %add3A_29 = arith.addi %mul3A_2, %add3A_28 : i32
    %dma_start3A_30 = arith.constant 0 : i32
    %dma_start3A_31 = arith.constant 0 : i32
    %dma_start3A_32 = tpu.memref_slice %arg11[%dma_start3A_30, %dma_start3A_31] : memref<2x512xf32, #tpu.memory_space<vmem>> -> memref<2x256xf32, #tpu.memory_space<vmem>>
    %dma_start3A_33 = arith.constant 0 : i32
    %dma_start3A_34 = tpu.memref_slice %arg5[%dma_start3A_33, %add3A_29] : memref<2x16384xf32, #tpu.memory_space<hbm>> -> memref<2x256xf32, #tpu.memory_space<hbm>>
    %dma_start3A_35 = arith.constant 0 : i32
    %dma_start3A_36 = tpu.memref_slice %arg5[%dma_start3A_35, %add3A_29] : memref<2x16384xf32, #tpu.memory_space<hbm>> -> memref<2x256xf32, #tpu.memory_space<hbm>>
    %dma_start3A_37 = arith.constant 0 : i32
    %dma_start3A_38 = arith.constant 0 : i32
    %dma_start3A_39 = tpu.memref_slice %arg11[%dma_start3A_37, %dma_start3A_38] : memref<2x512xf32, #tpu.memory_space<vmem>> -> memref<2x256xf32, #tpu.memory_space<vmem>>
    tpu.enqueue_dma source(%dma_start3A_39 : memref<2x256xf32, #tpu.memory_space<vmem>>) target(%dma_start3A_36 : memref<2x256xf32, #tpu.memory_space<hbm>>) target_semaphore(%arg15 : memref<!tpu.dma_semaphore, #tpu.memory_space<semaphore_mem>>)
    %dma_start3A_40 = arith.constant 0 : i32
    %dma_start3A_41 = arith.constant 0 : i32
    %dma_start3A_42 = tpu.memref_slice %arg12[%dma_start3A_40, %dma_start3A_41] : memref<56x512xf32, #tpu.memory_space<vmem>> -> memref<56x256xf32, #tpu.memory_space<vmem>>
    %dma_start3A_43 = arith.constant 0 : i32
    %dma_start3A_44 = tpu.memref_slice %arg6[%dma_start3A_43, %add3A_29] : memref<56x16384xf32, #tpu.memory_space<hbm>> -> memref<56x256xf32, #tpu.memory_space<hbm>>
    %dma_start3A_45 = arith.constant 0 : i32
    %dma_start3A_46 = tpu.memref_slice %arg6[%dma_start3A_45, %add3A_29] : memref<56x16384xf32, #tpu.memory_space<hbm>> -> memref<56x256xf32, #tpu.memory_space<hbm>>
    %dma_start3A_47 = arith.constant 0 : i32
    %dma_start3A_48 = arith.constant 0 : i32
    %dma_start3A_49 = tpu.memref_slice %arg12[%dma_start3A_47, %dma_start3A_48] : memref<56x512xf32, #tpu.memory_space<vmem>> -> memref<56x256xf32, #tpu.memory_space<vmem>>
    tpu.enqueue_dma source(%dma_start3A_49 : memref<56x256xf32, #tpu.memory_space<vmem>>) target(%dma_start3A_46 : memref<56x256xf32, #tpu.memory_space<hbm>>) target_semaphore(%arg16 : memref<!tpu.dma_semaphore, #tpu.memory_space<semaphore_mem>>)
    %scan3A_50 = arith.constant 0 : i32
    %scan3A_51 = arith.constant 16 : i32
    %scan3A_52 = arith.constant 16 : i32
    %scan3A_53 = arith.addi %scan3A_51, %scan3A_52 : i32
    %scan3A_54 = arith.constant 1 : i32
    scf.for %scan3A_118 = %scan3A_51 to %scan3A_53 step %scan3A_54  : i32 {
      %mul3A_119 = arith.constant 16 : i32
      %mul3A_120 = arith.muli %scan3A_118, %mul3A_119 : i32
      %get3A = arith.constant 0 : i32
      %get3A_121 = arith.index_cast %get3A : i32 to index
      %get3A_122 = arith.index_cast %mul3A_120 : i32 to index
      %get3A_123 = tpu.vector_load %arg9[%get3A_121, %get3A_122] {strides = array<i32>} : memref<3x512xi32, #tpu.memory_space<vmem>>, vector<16xi32>,
      %mul3A_124 = arith.constant 21 : i32
      %mul3A_125 = vector.broadcast %mul3A_124 : i32 to vector<16xi32>
      %mul3A_126 = arith.muli %get3A_123, %mul3A_125 : vector<16xi32>
      %get3A_127 = arith.constant 1 : i32
      %get3A_128 = arith.index_cast %get3A_127 : i32 to index
      %get3A_129 = arith.index_cast %mul3A_120 : i32 to index
      %get3A_130 = tpu.vector_load %arg9[%get3A_128, %get3A_129] {strides = array<i32>} : memref<3x512xi32, #tpu.memory_space<vmem>>, vector<16xi32>,
      %add3A_131 = arith.addi %mul3A_126, %get3A_130 : vector<16xi32>
      %gather3A = tpu.vector_load_idx %arg8[%add3A_131] : memref<448xf32, #tpu.memory_space<vmem>>[vector<16xi32>], vector<16xf32>,
      %get3A_132 = arith.constant 2 : i32
      %get3A_133 = arith.index_cast %get3A_132 : i32 to index
      %get3A_134 = arith.index_cast %mul3A_120 : i32 to index
      %get3A_135 = tpu.vector_load %arg9[%get3A_133, %get3A_134] {strides = array<i32>} : memref<3x512xi32, #tpu.memory_space<vmem>>, vector<16xi32>,
      %add3A_136 = arith.addi %mul3A_126, %get3A_135 : vector<16xi32>
      %gather3A_137 = tpu.vector_load_idx %arg8[%add3A_136] : memref<448xf32, #tpu.memory_space<vmem>>[vector<16xi32>], vector<16xf32>,
      %add3A_138 = arith.addf %gather3A, %gather3A_137 : vector<16xf32>
      %div3A = arith.constant 1.000000e+00 : f32
      %div3A_139 = vector.broadcast %div3A : f32 to vector<16xf32>
      %div3A_140 = arith.divf %div3A_139, %add3A_138 : vector<16xf32>
      %mul3A_141 = arith.mulf %gather3A, %div3A_140 : vector<16xf32>
      %swap3A = arith.constant 0 : i32
      %swap3A_142 = arith.index_cast %swap3A : i32 to index
      %swap3A_143 = arith.index_cast %mul3A_120 : i32 to index
      %swap3A_144 = tpu.vector_load %arg11[%swap3A_142, %swap3A_143] {strides = array<i32>} : memref<2x512xf32, #tpu.memory_space<vmem>>, vector<16xf32>,
      tpu.vector_store %arg11[%swap3A_142, %swap3A_143], %mul3A_141 {strides = array<i32>} : memref<2x512xf32, #tpu.memory_space<vmem>>, vector<16xf32>,
      %mul3A_145 = arith.mulf %gather3A_137, %div3A_140 : vector<16xf32>
      %swap3A_146 = arith.constant 1 : i32
      %swap3A_147 = arith.index_cast %swap3A_146 : i32 to index
      %swap3A_148 = arith.index_cast %mul3A_120 : i32 to index
      %swap3A_149 = tpu.vector_load %arg11[%swap3A_147, %swap3A_148] {strides = array<i32>} : memref<2x512xf32, #tpu.memory_space<vmem>>, vector<16xf32>,
      tpu.vector_store %arg11[%swap3A_147, %swap3A_148], %mul3A_145 {strides = array<i32>} : memref<2x512xf32, #tpu.memory_space<vmem>>, vector<16xf32>,
      %get3A_150 = arith.constant 0 : i32
      %get3A_151 = arith.index_cast %get3A_150 : i32 to index
      %get3A_152 = arith.index_cast %mul3A_120 : i32 to index
      %get3A_153 = tpu.vector_load %arg10[%get3A_151, %get3A_152] {strides = array<i32>} : memref<9x512xi32, #tpu.memory_space<vmem>>, vector<16xi32>,
      %mul3A_154 = arith.constant 21 : i32
      %mul3A_155 = vector.broadcast %mul3A_154 : i32 to vector<16xi32>
      %mul3A_156 = arith.muli %get3A_153, %mul3A_155 : vector<16xi32>
      %get3A_157 = arith.constant 1 : i32
      %get3A_158 = arith.index_cast %get3A_157 : i32 to index
      %get3A_159 = arith.index_cast %mul3A_120 : i32 to index
      %get3A_160 = tpu.vector_load %arg10[%get3A_158, %get3A_159] {strides = array<i32>} : memref<9x512xi32, #tpu.memory_space<vmem>>, vector<16xi32>,
      %add3A_161 = arith.addi %mul3A_156, %get3A_160 : vector<16xi32>
      %gather3A_162 = tpu.vector_load_idx %arg8[%add3A_161] : memref<448xf32, #tpu.memory_space<vmem>>[vector<16xi32>], vector<16xf32>,
      %get3A_163 = arith.constant 2 : i32
      %get3A_164 = arith.index_cast %get3A_163 : i32 to index
      %get3A_165 = arith.index_cast %mul3A_120 : i32 to index
      %get3A_166 = tpu.vector_load %arg10[%get3A_164, %get3A_165] {strides = array<i32>} : memref<9x512xi32, #tpu.memory_space<vmem>>, vector<16xi32>,
      %add3A_167 = arith.addi %mul3A_156, %get3A_166 : vector<16xi32>
      %gather3A_168 = tpu.vector_load_idx %arg8[%add3A_167] : memref<448xf32, #tpu.memory_space<vmem>>[vector<16xi32>], vector<16xf32>,
      %get3A_169 = arith.constant 3 : i32
      %get3A_170 = arith.index_cast %get3A_169 : i32 to index
      %get3A_171 = arith.index_cast %mul3A_120 : i32 to index
      %get3A_172 = tpu.vector_load %arg10[%get3A_170, %get3A_171] {strides = array<i32>} : memref<9x512xi32, #tpu.memory_space<vmem>>, vector<16xi32>,
      %add3A_173 = arith.addi %mul3A_156, %get3A_172 : vector<16xi32>
      %gather3A_174 = tpu.vector_load_idx %arg8[%add3A_173] : memref<448xf32, #tpu.memory_space<vmem>>[vector<16xi32>], vector<16xf32>,
      %get3A_175 = arith.constant 4 : i32
      %get3A_176 = arith.index_cast %get3A_175 : i32 to index
      %get3A_177 = arith.index_cast %mul3A_120 : i32 to index
      %get3A_178 = tpu.vector_load %arg10[%get3A_176, %get3A_177] {strides = array<i32>} : memref<9x512xi32, #tpu.memory_space<vmem>>, vector<16xi32>,
      %add3A_179 = arith.addi %mul3A_156, %get3A_178 : vector<16xi32>
      %gather3A_180 = tpu.vector_load_idx %arg8[%add3A_179] : memref<448xf32, #tpu.memory_space<vmem>>[vector<16xi32>], vector<16xf32>,
      %get3A_181 = arith.constant 5 : i32
      %get3A_182 = arith.index_cast %get3A_181 : i32 to index
      %get3A_183 = arith.index_cast %mul3A_120 : i32 to index
      %get3A_184 = tpu.vector_load %arg10[%get3A_182, %get3A_183] {strides = array<i32>} : memref<9x512xi32, #tpu.memory_space<vmem>>, vector<16xi32>,
      %add3A_185 = arith.addi %mul3A_156, %get3A_184 : vector<16xi32>
      %gather3A_186 = tpu.vector_load_idx %arg8[%add3A_185] : memref<448xf32, #tpu.memory_space<vmem>>[vector<16xi32>], vector<16xf32>,
      %get3A_187 = arith.constant 6 : i32
      %get3A_188 = arith.index_cast %get3A_187 : i32 to index
      %get3A_189 = arith.index_cast %mul3A_120 : i32 to index
      %get3A_190 = tpu.vector_load %arg10[%get3A_188, %get3A_189] {strides = array<i32>} : memref<9x512xi32, #tpu.memory_space<vmem>>, vector<16xi32>,
      %add3A_191 = arith.addi %mul3A_156, %get3A_190 : vector<16xi32>
      %gather3A_192 = tpu.vector_load_idx %arg8[%add3A_191] : memref<448xf32, #tpu.memory_space<vmem>>[vector<16xi32>], vector<16xf32>,
      %get3A_193 = arith.constant 7 : i32
      %get3A_194 = arith.index_cast %get3A_193 : i32 to index
      %get3A_195 = arith.index_cast %mul3A_120 : i32 to index
      %get3A_196 = tpu.vector_load %arg10[%get3A_194, %get3A_195] {strides = array<i32>} : memref<9x512xi32, #tpu.memory_space<vmem>>, vector<16xi32>,
      %add3A_197 = arith.addi %mul3A_156, %get3A_196 : vector<16xi32>
      %gather3A_198 = tpu.vector_load_idx %arg8[%add3A_197] : memref<448xf32, #tpu.memory_space<vmem>>[vector<16xi32>], vector<16xf32>,
      %get3A_199 = arith.constant 8 : i32
      %get3A_200 = arith.index_cast %get3A_199 : i32 to index
      %get3A_201 = arith.index_cast %mul3A_120 : i32 to index
      %get3A_202 = tpu.vector_load %arg10[%get3A_200, %get3A_201] {strides = array<i32>} : memref<9x512xi32, #tpu.memory_space<vmem>>, vector<16xi32>,
      %add3A_203 = arith.addi %mul3A_156, %get3A_202 : vector<16xi32>
      %gather3A_204 = tpu.vector_load_idx %arg8[%add3A_203] : memref<448xf32, #tpu.memory_space<vmem>>[vector<16xi32>], vector<16xf32>,
      %add3A_205 = arith.addf %gather3A_162, %gather3A_168 : vector<16xf32>
      %add3A_206 = arith.addf %add3A_205, %gather3A_174 : vector<16xf32>
      %add3A_207 = arith.addf %add3A_206, %gather3A_180 : vector<16xf32>
      %add3A_208 = arith.addf %add3A_207, %gather3A_186 : vector<16xf32>
      %add3A_209 = arith.addf %add3A_208, %gather3A_192 : vector<16xf32>
      %add3A_210 = arith.addf %add3A_209, %gather3A_198 : vector<16xf32>
      %add3A_211 = arith.addf %add3A_210, %gather3A_204 : vector<16xf32>
      %div3A_212 = arith.constant 1.000000e+00 : f32
      %div3A_213 = vector.broadcast %div3A_212 : f32 to vector<16xf32>
      %div3A_214 = arith.divf %div3A_213, %add3A_211 : vector<16xf32>
      %mul3A_215 = arith.mulf %gather3A_162, %div3A_214 : vector<16xf32>
      %sub3A = arith.subf %add3A_211, %gather3A_162 : vector<16xf32>
      %div3A_216 = arith.divf %mul3A_215, %sub3A : vector<16xf32>
      %mul3A_217 = arith.mulf %gather3A_168, %div3A_214 : vector<16xf32>
      %sub3A_218 = arith.subf %add3A_211, %gather3A_168 : vector<16xf32>
      %div3A_219 = arith.divf %mul3A_217, %sub3A_218 : vector<16xf32>
      %mul3A_220 = arith.mulf %gather3A_174, %div3A_214 : vector<16xf32>
      %sub3A_221 = arith.subf %add3A_211, %gather3A_174 : vector<16xf32>
      %div3A_222 = arith.divf %mul3A_220, %sub3A_221 : vector<16xf32>
      %mul3A_223 = arith.mulf %gather3A_180, %div3A_214 : vector<16xf32>
      %sub3A_224 = arith.subf %add3A_211, %gather3A_180 : vector<16xf32>
      %div3A_225 = arith.divf %mul3A_223, %sub3A_224 : vector<16xf32>
      %mul3A_226 = arith.mulf %gather3A_186, %div3A_214 : vector<16xf32>
      %sub3A_227 = arith.subf %add3A_211, %gather3A_186 : vector<16xf32>
      %div3A_228 = arith.divf %mul3A_226, %sub3A_227 : vector<16xf32>
      %mul3A_229 = arith.mulf %gather3A_192, %div3A_214 : vector<16xf32>
      %sub3A_230 = arith.subf %add3A_211, %gather3A_192 : vector<16xf32>
      %div3A_231 = arith.divf %mul3A_229, %sub3A_230 : vector<16xf32>
      %mul3A_232 = arith.mulf %gather3A_198, %div3A_214 : vector<16xf32>
      %sub3A_233 = arith.subf %add3A_211, %gather3A_198 : vector<16xf32>
      %div3A_234 = arith.divf %mul3A_232, %sub3A_233 : vector<16xf32>
      %mul3A_235 = arith.mulf %gather3A_204, %div3A_214 : vector<16xf32>
      %sub3A_236 = arith.subf %add3A_211, %gather3A_204 : vector<16xf32>
      %div3A_237 = arith.divf %mul3A_235, %sub3A_236 : vector<16xf32>
      %mul3A_238 = arith.mulf %div3A_216, %gather3A_168 : vector<16xf32>
      %swap3A_239 = arith.constant 0 : i32
      %swap3A_240 = arith.index_cast %swap3A_239 : i32 to index
      %swap3A_241 = arith.index_cast %mul3A_120 : i32 to index
      %swap3A_242 = tpu.vector_load %arg12[%swap3A_240, %swap3A_241] {strides = array<i32>} : memref<56x512xf32, #tpu.memory_space<vmem>>, vector<16xf32>,
      tpu.vector_store %arg12[%swap3A_240, %swap3A_241], %mul3A_238 {strides = array<i32>} : memref<56x512xf32, #tpu.memory_space<vmem>>, vector<16xf32>,
      %mul3A_243 = arith.mulf %div3A_216, %gather3A_174 : vector<16xf32>
      %swap3A_244 = arith.constant 1 : i32
      %swap3A_245 = arith.index_cast %swap3A_244 : i32 to index
      %swap3A_246 = arith.index_cast %mul3A_120 : i32 to index
      %swap3A_247 = tpu.vector_load %arg12[%swap3A_245, %swap3A_246] {strides = array<i32>} : memref<56x512xf32, #tpu.memory_space<vmem>>, vector<16xf32>,
      tpu.vector_store %arg12[%swap3A_245, %swap3A_246], %mul3A_243 {strides = array<i32>} : memref<56x512xf32, #tpu.memory_space<vmem>>, vector<16xf32>,
      %mul3A_248 = arith.mulf %div3A_216, %gather3A_180 : vector<16xf32>
      %swap3A_249 = arith.constant 2 : i32
      %swap3A_250 = arith.index_cast %swap3A_249 : i32 to index
      %swap3A_251 = arith.index_cast %mul3A_120 : i32 to index
      %swap3A_252 = tpu.vector_load %arg12[%swap3A_250, %swap3A_251] {strides = array<i32>} : memref<56x512xf32, #tpu.memory_space<vmem>>, vector<16xf32>,
      tpu.vector_store %arg12[%swap3A_250, %swap3A_251], %mul3A_248 {strides = array<i32>} : memref<56x512xf32, #tpu.memory_space<vmem>>, vector<16xf32>,
      %mul3A_253 = arith.mulf %div3A_216, %gather3A_186 : vector<16xf32>
      %swap3A_254 = arith.constant 3 : i32
      %swap3A_255 = arith.index_cast %swap3A_254 : i32 to index
      %swap3A_256 = arith.index_cast %mul3A_120 : i32 to index
      %swap3A_257 = tpu.vector_load %arg12[%swap3A_255, %swap3A_256] {strides = array<i32>} : memref<56x512xf32, #tpu.memory_space<vmem>>, vector<16xf32>,
      tpu.vector_store %arg12[%swap3A_255, %swap3A_256], %mul3A_253 {strides = array<i32>} : memref<56x512xf32, #tpu.memory_space<vmem>>, vector<16xf32>,
      %mul3A_258 = arith.mulf %div3A_216, %gather3A_192 : vector<16xf32>
      %swap3A_259 = arith.constant 4 : i32
      %swap3A_260 = arith.index_cast %swap3A_259 : i32 to index
      %swap3A_261 = arith.index_cast %mul3A_120 : i32 to index
      %swap3A_262 = tpu.vector_load %arg12[%swap3A_260, %swap3A_261] {strides = array<i32>} : memref<56x512xf32, #tpu.memory_space<vmem>>, vector<16xf32>,
      tpu.vector_store %arg12[%swap3A_260, %swap3A_261], %mul3A_258 {strides = array<i32>} : memref<56x512xf32, #tpu.memory_space<vmem>>, vector<16xf32>,
      %mul3A_263 = arith.mulf %div3A_216, %gather3A_198 : vector<16xf32>
      %swap3A_264 = arith.constant 5 : i32
      %swap3A_265 = arith.index_cast %swap3A_264 : i32 to index
      %swap3A_266 = arith.index_cast %mul3A_120 : i32 to index
      %swap3A_267 = tpu.vector_load %arg12[%swap3A_265, %swap3A_266] {strides = array<i32>} : memref<56x512xf32, #tpu.memory_space<vmem>>, vector<16xf32>,
      tpu.vector_store %arg12[%swap3A_265, %swap3A_266], %mul3A_263 {strides = array<i32>} : memref<56x512xf32, #tpu.memory_space<vmem>>, vector<16xf32>,
      %mul3A_268 = arith.mulf %div3A_216, %gather3A_204 : vector<16xf32>
      %swap3A_269 = arith.constant 6 : i32
      %swap3A_270 = arith.index_cast %swap3A_269 : i32 to index
      %swap3A_271 = arith.index_cast %mul3A_120 : i32 to index
      %swap3A_272 = tpu.vector_load %arg12[%swap3A_270, %swap3A_271] {strides = array<i32>} : memref<56x512xf32, #tpu.memory_space<vmem>>, vector<16xf32>,
      tpu.vector_store %arg12[%swap3A_270, %swap3A_271], %mul3A_268 {strides = array<i32>} : memref<56x512xf32, #tpu.memory_space<vmem>>, vector<16xf32>,
      %mul3A_273 = arith.mulf %div3A_219, %gather3A_162 : vector<16xf32>
      %swap3A_274 = arith.constant 7 : i32
      %swap3A_275 = arith.index_cast %swap3A_274 : i32 to index
      %swap3A_276 = arith.index_cast %mul3A_120 : i32 to index
      %swap3A_277 = tpu.vector_load %arg12[%swap3A_275, %swap3A_276] {strides = array<i32>} : memref<56x512xf32, #tpu.memory_space<vmem>>, vector<16xf32>,
      tpu.vector_store %arg12[%swap3A_275, %swap3A_276], %mul3A_273 {strides = array<i32>} : memref<56x512xf32, #tpu.memory_space<vmem>>, vector<16xf32>,
      %mul3A_278 = arith.mulf %div3A_219, %gather3A_174 : vector<16xf32>
      %swap3A_279 = arith.constant 8 : i32
      %swap3A_280 = arith.index_cast %swap3A_279 : i32 to index
      %swap3A_281 = arith.index_cast %mul3A_120 : i32 to index
      %swap3A_282 = tpu.vector_load %arg12[%swap3A_280, %swap3A_281] {strides = array<i32>} : memref<56x512xf32, #tpu.memory_space<vmem>>, vector<16xf32>,
      tpu.vector_store %arg12[%swap3A_280, %swap3A_281], %mul3A_278 {strides = array<i32>} : memref<56x512xf32, #tpu.memory_space<vmem>>, vector<16xf32>,
      %mul3A_283 = arith.mulf %div3A_219, %gather3A_180 : vector<16xf32>
      %swap3A_284 = arith.constant 9 : i32
      %swap3A_285 = arith.index_cast %swap3A_284 : i32 to index
      %swap3A_286 = arith.index_cast %mul3A_120 : i32 to index
      %swap3A_287 = tpu.vector_load %arg12[%swap3A_285, %swap3A_286] {strides = array<i32>} : memref<56x512xf32, #tpu.memory_space<vmem>>, vector<16xf32>,
      tpu.vector_store %arg12[%swap3A_285, %swap3A_286], %mul3A_283 {strides = array<i32>} : memref<56x512xf32, #tpu.memory_space<vmem>>, vector<16xf32>,
      %mul3A_288 = arith.mulf %div3A_219, %gather3A_186 : vector<16xf32>
      %swap3A_289 = arith.constant 10 : i32
      %swap3A_290 = arith.index_cast %swap3A_289 : i32 to index
      %swap3A_291 = arith.index_cast %mul3A_120 : i32 to index
      %swap3A_292 = tpu.vector_load %arg12[%swap3A_290, %swap3A_291] {strides = array<i32>} : memref<56x512xf32, #tpu.memory_space<vmem>>, vector<16xf32>,
      tpu.vector_store %arg12[%swap3A_290, %swap3A_291], %mul3A_288 {strides = array<i32>} : memref<56x512xf32, #tpu.memory_space<vmem>>, vector<16xf32>,
      %mul3A_293 = arith.mulf %div3A_219, %gather3A_192 : vector<16xf32>
      %swap3A_294 = arith.constant 11 : i32
      %swap3A_295 = arith.index_cast %swap3A_294 : i32 to index
      %swap3A_296 = arith.index_cast %mul3A_120 : i32 to index
      %swap3A_297 = tpu.vector_load %arg12[%swap3A_295, %swap3A_296] {strides = array<i32>} : memref<56x512xf32, #tpu.memory_space<vmem>>, vector<16xf32>,
      tpu.vector_store %arg12[%swap3A_295, %swap3A_296], %mul3A_293 {strides = array<i32>} : memref<56x512xf32, #tpu.memory_space<vmem>>, vector<16xf32>,
      %mul3A_298 = arith.mulf %div3A_219, %gather3A_198 : vector<16xf32>
      %swap3A_299 = arith.constant 12 : i32
      %swap3A_300 = arith.index_cast %swap3A_299 : i32 to index
      %swap3A_301 = arith.index_cast %mul3A_120 : i32 to index
      %swap3A_302 = tpu.vector_load %arg12[%swap3A_300, %swap3A_301] {strides = array<i32>} : memref<56x512xf32, #tpu.memory_space<vmem>>, vector<16xf32>,
      tpu.vector_store %arg12[%swap3A_300, %swap3A_301], %mul3A_298 {strides = array<i32>} : memref<56x512xf32, #tpu.memory_space<vmem>>, vector<16xf32>,
      %mul3A_303 = arith.mulf %div3A_219, %gather3A_204 : vector<16xf32>
      %swap3A_304 = arith.constant 13 : i32
      %swap3A_305 = arith.index_cast %swap3A_304 : i32 to index
      %swap3A_306 = arith.index_cast %mul3A_120 : i32 to index
      %swap3A_307 = tpu.vector_load %arg12[%swap3A_305, %swap3A_306] {strides = array<i32>} : memref<56x512xf32, #tpu.memory_space<vmem>>, vector<16xf32>,
      tpu.vector_store %arg12[%swap3A_305, %swap3A_306], %mul3A_303 {strides = array<i32>} : memref<56x512xf32, #tpu.memory_space<vmem>>, vector<16xf32>,
      %mul3A_308 = arith.mulf %div3A_222, %gather3A_162 : vector<16xf32>
      %swap3A_309 = arith.constant 14 : i32
      %swap3A_310 = arith.index_cast %swap3A_309 : i32 to index
      %swap3A_311 = arith.index_cast %mul3A_120 : i32 to index
      %swap3A_312 = tpu.vector_load %arg12[%swap3A_310, %swap3A_311] {strides = array<i32>} : memref<56x512xf32, #tpu.memory_space<vmem>>, vector<16xf32>,
      tpu.vector_store %arg12[%swap3A_310, %swap3A_311], %mul3A_308 {strides = array<i32>} : memref<56x512xf32, #tpu.memory_space<vmem>>, vector<16xf32>,
      %mul3A_313 = arith.mulf %div3A_222, %gather3A_168 : vector<16xf32>
      %swap3A_314 = arith.constant 15 : i32
      %swap3A_315 = arith.index_cast %swap3A_314 : i32 to index
      %swap3A_316 = arith.index_cast %mul3A_120 : i32 to index
      %swap3A_317 = tpu.vector_load %arg12[%swap3A_315, %swap3A_316] {strides = array<i32>} : memref<56x512xf32, #tpu.memory_space<vmem>>, vector<16xf32>,
      tpu.vector_store %arg12[%swap3A_315, %swap3A_316], %mul3A_313 {strides = array<i32>} : memref<56x512xf32, #tpu.memory_space<vmem>>, vector<16xf32>,
      %mul3A_318 = arith.mulf %div3A_222, %gather3A_180 : vector<16xf32>
      %swap3A_319 = arith.constant 16 : i32
      %swap3A_320 = arith.index_cast %swap3A_319 : i32 to index
      %swap3A_321 = arith.index_cast %mul3A_120 : i32 to index
      %swap3A_322 = tpu.vector_load %arg12[%swap3A_320, %swap3A_321] {strides = array<i32>} : memref<56x512xf32, #tpu.memory_space<vmem>>, vector<16xf32>,
      tpu.vector_store %arg12[%swap3A_320, %swap3A_321], %mul3A_318 {strides = array<i32>} : memref<56x512xf32, #tpu.memory_space<vmem>>, vector<16xf32>,
      %mul3A_323 = arith.mulf %div3A_222, %gather3A_186 : vector<16xf32>
      %swap3A_324 = arith.constant 17 : i32
      %swap3A_325 = arith.index_cast %swap3A_324 : i32 to index
      %swap3A_326 = arith.index_cast %mul3A_120 : i32 to index
      %swap3A_327 = tpu.vector_load %arg12[%swap3A_325, %swap3A_326] {strides = array<i32>} : memref<56x512xf32, #tpu.memory_space<vmem>>, vector<16xf32>,
      tpu.vector_store %arg12[%swap3A_325, %swap3A_326], %mul3A_323 {strides = array<i32>} : memref<56x512xf32, #tpu.memory_space<vmem>>, vector<16xf32>,
      %mul3A_328 = arith.mulf %div3A_222, %gather3A_192 : vector<16xf32>
      %swap3A_329 = arith.constant 18 : i32
      %swap3A_330 = arith.index_cast %swap3A_329 : i32 to index
      %swap3A_331 = arith.index_cast %mul3A_120 : i32 to index
      %swap3A_332 = tpu.vector_load %arg12[%swap3A_330, %swap3A_331] {strides = array<i32>} : memref<56x512xf32, #tpu.memory_space<vmem>>, vector<16xf32>,
      tpu.vector_store %arg12[%swap3A_330, %swap3A_331], %mul3A_328 {strides = array<i32>} : memref<56x512xf32, #tpu.memory_space<vmem>>, vector<16xf32>,
      %mul3A_333 = arith.mulf %div3A_222, %gather3A_198 : vector<16xf32>
      %swap3A_334 = arith.constant 19 : i32
      %swap3A_335 = arith.index_cast %swap3A_334 : i32 to index
      %swap3A_336 = arith.index_cast %mul3A_120 : i32 to index
      %swap3A_337 = tpu.vector_load %arg12[%swap3A_335, %swap3A_336] {strides = array<i32>} : memref<56x512xf32, #tpu.memory_space<vmem>>, vector<16xf32>,
      tpu.vector_store %arg12[%swap3A_335, %swap3A_336], %mul3A_333 {strides = array<i32>} : memref<56x512xf32, #tpu.memory_space<vmem>>, vector<16xf32>,
      %mul3A_338 = arith.mulf %div3A_222, %gather3A_204 : vector<16xf32>
      %swap3A_339 = arith.constant 20 : i32
      %swap3A_340 = arith.index_cast %swap3A_339 : i32 to index
      %swap3A_341 = arith.index_cast %mul3A_120 : i32 to index
      %swap3A_342 = tpu.vector_load %arg12[%swap3A_340, %swap3A_341] {strides = array<i32>} : memref<56x512xf32, #tpu.memory_space<vmem>>, vector<16xf32>,
      tpu.vector_store %arg12[%swap3A_340, %swap3A_341], %mul3A_338 {strides = array<i32>} : memref<56x512xf32, #tpu.memory_space<vmem>>, vector<16xf32>,
      %mul3A_343 = arith.mulf %div3A_225, %gather3A_162 : vector<16xf32>
      %swap3A_344 = arith.constant 21 : i32
      %swap3A_345 = arith.index_cast %swap3A_344 : i32 to index
      %swap3A_346 = arith.index_cast %mul3A_120 : i32 to index
      %swap3A_347 = tpu.vector_load %arg12[%swap3A_345, %swap3A_346] {strides = array<i32>} : memref<56x512xf32, #tpu.memory_space<vmem>>, vector<16xf32>,
      tpu.vector_store %arg12[%swap3A_345, %swap3A_346], %mul3A_343 {strides = array<i32>} : memref<56x512xf32, #tpu.memory_space<vmem>>, vector<16xf32>,
      %mul3A_348 = arith.mulf %div3A_225, %gather3A_168 : vector<16xf32>
      %swap3A_349 = arith.constant 22 : i32
      %swap3A_350 = arith.index_cast %swap3A_349 : i32 to index
      %swap3A_351 = arith.index_cast %mul3A_120 : i32 to index
      %swap3A_352 = tpu.vector_load %arg12[%swap3A_350, %swap3A_351] {strides = array<i32>} : memref<56x512xf32, #tpu.memory_space<vmem>>, vector<16xf32>,
      tpu.vector_store %arg12[%swap3A_350, %swap3A_351], %mul3A_348 {strides = array<i32>} : memref<56x512xf32, #tpu.memory_space<vmem>>, vector<16xf32>,
      %mul3A_353 = arith.mulf %div3A_225, %gather3A_174 : vector<16xf32>
      %swap3A_354 = arith.constant 23 : i32
      %swap3A_355 = arith.index_cast %swap3A_354 : i32 to index
      %swap3A_356 = arith.index_cast %mul3A_120 : i32 to index
      %swap3A_357 = tpu.vector_load %arg12[%swap3A_355, %swap3A_356] {strides = array<i32>} : memref<56x512xf32, #tpu.memory_space<vmem>>, vector<16xf32>,
      tpu.vector_store %arg12[%swap3A_355, %swap3A_356], %mul3A_353 {strides = array<i32>} : memref<56x512xf32, #tpu.memory_space<vmem>>, vector<16xf32>,
      %mul3A_358 = arith.mulf %div3A_225, %gather3A_186 : vector<16xf32>
      %swap3A_359 = arith.constant 24 : i32
      %swap3A_360 = arith.index_cast %swap3A_359 : i32 to index
      %swap3A_361 = arith.index_cast %mul3A_120 : i32 to index
      %swap3A_362 = tpu.vector_load %arg12[%swap3A_360, %swap3A_361] {strides = array<i32>} : memref<56x512xf32, #tpu.memory_space<vmem>>, vector<16xf32>,
      tpu.vector_store %arg12[%swap3A_360, %swap3A_361], %mul3A_358 {strides = array<i32>} : memref<56x512xf32, #tpu.memory_space<vmem>>, vector<16xf32>,
      %mul3A_363 = arith.mulf %div3A_225, %gather3A_192 : vector<16xf32>
      %swap3A_364 = arith.constant 25 : i32
      %swap3A_365 = arith.index_cast %swap3A_364 : i32 to index
      %swap3A_366 = arith.index_cast %mul3A_120 : i32 to index
      %swap3A_367 = tpu.vector_load %arg12[%swap3A_365, %swap3A_366] {strides = array<i32>} : memref<56x512xf32, #tpu.memory_space<vmem>>, vector<16xf32>,
      tpu.vector_store %arg12[%swap3A_365, %swap3A_366], %mul3A_363 {strides = array<i32>} : memref<56x512xf32, #tpu.memory_space<vmem>>, vector<16xf32>,
      %mul3A_368 = arith.mulf %div3A_225, %gather3A_198 : vector<16xf32>
      %swap3A_369 = arith.constant 26 : i32
      %swap3A_370 = arith.index_cast %swap3A_369 : i32 to index
      %swap3A_371 = arith.index_cast %mul3A_120 : i32 to index
      %swap3A_372 = tpu.vector_load %arg12[%swap3A_370, %swap3A_371] {strides = array<i32>} : memref<56x512xf32, #tpu.memory_space<vmem>>, vector<16xf32>,
      tpu.vector_store %arg12[%swap3A_370, %swap3A_371], %mul3A_368 {strides = array<i32>} : memref<56x512xf32, #tpu.memory_space<vmem>>, vector<16xf32>,
      %mul3A_373 = arith.mulf %div3A_225, %gather3A_204 : vector<16xf32>
      %swap3A_374 = arith.constant 27 : i32
      %swap3A_375 = arith.index_cast %swap3A_374 : i32 to index
      %swap3A_376 = arith.index_cast %mul3A_120 : i32 to index
      %swap3A_377 = tpu.vector_load %arg12[%swap3A_375, %swap3A_376] {strides = array<i32>} : memref<56x512xf32, #tpu.memory_space<vmem>>, vector<16xf32>,
      tpu.vector_store %arg12[%swap3A_375, %swap3A_376], %mul3A_373 {strides = array<i32>} : memref<56x512xf32, #tpu.memory_space<vmem>>, vector<16xf32>,
      %mul3A_378 = arith.mulf %div3A_228, %gather3A_162 : vector<16xf32>
      %swap3A_379 = arith.constant 28 : i32
      %swap3A_380 = arith.index_cast %swap3A_379 : i32 to index
      %swap3A_381 = arith.index_cast %mul3A_120 : i32 to index
      %swap3A_382 = tpu.vector_load %arg12[%swap3A_380, %swap3A_381] {strides = array<i32>} : memref<56x512xf32, #tpu.memory_space<vmem>>, vector<16xf32>,
      tpu.vector_store %arg12[%swap3A_380, %swap3A_381], %mul3A_378 {strides = array<i32>} : memref<56x512xf32, #tpu.memory_space<vmem>>, vector<16xf32>,
      %mul3A_383 = arith.mulf %div3A_228, %gather3A_168 : vector<16xf32>
      %swap3A_384 = arith.constant 29 : i32
      %swap3A_385 = arith.index_cast %swap3A_384 : i32 to index
      %swap3A_386 = arith.index_cast %mul3A_120 : i32 to index
      %swap3A_387 = tpu.vector_load %arg12[%swap3A_385, %swap3A_386] {strides = array<i32>} : memref<56x512xf32, #tpu.memory_space<vmem>>, vector<16xf32>,
      tpu.vector_store %arg12[%swap3A_385, %swap3A_386], %mul3A_383 {strides = array<i32>} : memref<56x512xf32, #tpu.memory_space<vmem>>, vector<16xf32>,
      %mul3A_388 = arith.mulf %div3A_228, %gather3A_174 : vector<16xf32>
      %swap3A_389 = arith.constant 30 : i32
      %swap3A_390 = arith.index_cast %swap3A_389 : i32 to index
      %swap3A_391 = arith.index_cast %mul3A_120 : i32 to index
      %swap3A_392 = tpu.vector_load %arg12[%swap3A_390, %swap3A_391] {strides = array<i32>} : memref<56x512xf32, #tpu.memory_space<vmem>>, vector<16xf32>,
      tpu.vector_store %arg12[%swap3A_390, %swap3A_391], %mul3A_388 {strides = array<i32>} : memref<56x512xf32, #tpu.memory_space<vmem>>, vector<16xf32>,
      %mul3A_393 = arith.mulf %div3A_228, %gather3A_180 : vector<16xf32>
      %swap3A_394 = arith.constant 31 : i32
      %swap3A_395 = arith.index_cast %swap3A_394 : i32 to index
      %swap3A_396 = arith.index_cast %mul3A_120 : i32 to index
      %swap3A_397 = tpu.vector_load %arg12[%swap3A_395, %swap3A_396] {strides = array<i32>} : memref<56x512xf32, #tpu.memory_space<vmem>>, vector<16xf32>,
      tpu.vector_store %arg12[%swap3A_395, %swap3A_396], %mul3A_393 {strides = array<i32>} : memref<56x512xf32, #tpu.memory_space<vmem>>, vector<16xf32>,
      %mul3A_398 = arith.mulf %div3A_228, %gather3A_192 : vector<16xf32>
      %swap3A_399 = arith.constant 32 : i32
      %swap3A_400 = arith.index_cast %swap3A_399 : i32 to index
      %swap3A_401 = arith.index_cast %mul3A_120 : i32 to index
      %swap3A_402 = tpu.vector_load %arg12[%swap3A_400, %swap3A_401] {strides = array<i32>} : memref<56x512xf32, #tpu.memory_space<vmem>>, vector<16xf32>,
      tpu.vector_store %arg12[%swap3A_400, %swap3A_401], %mul3A_398 {strides = array<i32>} : memref<56x512xf32, #tpu.memory_space<vmem>>, vector<16xf32>,
      %mul3A_403 = arith.mulf %div3A_228, %gather3A_198 : vector<16xf32>
      %swap3A_404 = arith.constant 33 : i32
      %swap3A_405 = arith.index_cast %swap3A_404 : i32 to index
      %swap3A_406 = arith.index_cast %mul3A_120 : i32 to index
      %swap3A_407 = tpu.vector_load %arg12[%swap3A_405, %swap3A_406] {strides = array<i32>} : memref<56x512xf32, #tpu.memory_space<vmem>>, vector<16xf32>,
      tpu.vector_store %arg12[%swap3A_405, %swap3A_406], %mul3A_403 {strides = array<i32>} : memref<56x512xf32, #tpu.memory_space<vmem>>, vector<16xf32>,
      %mul3A_408 = arith.mulf %div3A_228, %gather3A_204 : vector<16xf32>
      %swap3A_409 = arith.constant 34 : i32
      %swap3A_410 = arith.index_cast %swap3A_409 : i32 to index
      %swap3A_411 = arith.index_cast %mul3A_120 : i32 to index
      %swap3A_412 = tpu.vector_load %arg12[%swap3A_410, %swap3A_411] {strides = array<i32>} : memref<56x512xf32, #tpu.memory_space<vmem>>, vector<16xf32>,
      tpu.vector_store %arg12[%swap3A_410, %swap3A_411], %mul3A_408 {strides = array<i32>} : memref<56x512xf32, #tpu.memory_space<vmem>>, vector<16xf32>,
      %mul3A_413 = arith.mulf %div3A_231, %gather3A_162 : vector<16xf32>
      %swap3A_414 = arith.constant 35 : i32
      %swap3A_415 = arith.index_cast %swap3A_414 : i32 to index
      %swap3A_416 = arith.index_cast %mul3A_120 : i32 to index
      %swap3A_417 = tpu.vector_load %arg12[%swap3A_415, %swap3A_416] {strides = array<i32>} : memref<56x512xf32, #tpu.memory_space<vmem>>, vector<16xf32>,
      tpu.vector_store %arg12[%swap3A_415, %swap3A_416], %mul3A_413 {strides = array<i32>} : memref<56x512xf32, #tpu.memory_space<vmem>>, vector<16xf32>,
      %mul3A_418 = arith.mulf %div3A_231, %gather3A_168 : vector<16xf32>
      %swap3A_419 = arith.constant 36 : i32
      %swap3A_420 = arith.index_cast %swap3A_419 : i32 to index
      %swap3A_421 = arith.index_cast %mul3A_120 : i32 to index
      %swap3A_422 = tpu.vector_load %arg12[%swap3A_420, %swap3A_421] {strides = array<i32>} : memref<56x512xf32, #tpu.memory_space<vmem>>, vector<16xf32>,
      tpu.vector_store %arg12[%swap3A_420, %swap3A_421], %mul3A_418 {strides = array<i32>} : memref<56x512xf32, #tpu.memory_space<vmem>>, vector<16xf32>,
      %mul3A_423 = arith.mulf %div3A_231, %gather3A_174 : vector<16xf32>
      %swap3A_424 = arith.constant 37 : i32
      %swap3A_425 = arith.index_cast %swap3A_424 : i32 to index
      %swap3A_426 = arith.index_cast %mul3A_120 : i32 to index
      %swap3A_427 = tpu.vector_load %arg12[%swap3A_425, %swap3A_426] {strides = array<i32>} : memref<56x512xf32, #tpu.memory_space<vmem>>, vector<16xf32>,
      tpu.vector_store %arg12[%swap3A_425, %swap3A_426], %mul3A_423 {strides = array<i32>} : memref<56x512xf32, #tpu.memory_space<vmem>>, vector<16xf32>,
      %mul3A_428 = arith.mulf %div3A_231, %gather3A_180 : vector<16xf32>
      %swap3A_429 = arith.constant 38 : i32
      %swap3A_430 = arith.index_cast %swap3A_429 : i32 to index
      %swap3A_431 = arith.index_cast %mul3A_120 : i32 to index
      %swap3A_432 = tpu.vector_load %arg12[%swap3A_430, %swap3A_431] {strides = array<i32>} : memref<56x512xf32, #tpu.memory_space<vmem>>, vector<16xf32>,
      tpu.vector_store %arg12[%swap3A_430, %swap3A_431], %mul3A_428 {strides = array<i32>} : memref<56x512xf32, #tpu.memory_space<vmem>>, vector<16xf32>,
      %mul3A_433 = arith.mulf %div3A_231, %gather3A_186 : vector<16xf32>
      %swap3A_434 = arith.constant 39 : i32
      %swap3A_435 = arith.index_cast %swap3A_434 : i32 to index
      %swap3A_436 = arith.index_cast %mul3A_120 : i32 to index
      %swap3A_437 = tpu.vector_load %arg12[%swap3A_435, %swap3A_436] {strides = array<i32>} : memref<56x512xf32, #tpu.memory_space<vmem>>, vector<16xf32>,
      tpu.vector_store %arg12[%swap3A_435, %swap3A_436], %mul3A_433 {strides = array<i32>} : memref<56x512xf32, #tpu.memory_space<vmem>>, vector<16xf32>,
      %mul3A_438 = arith.mulf %div3A_231, %gather3A_198 : vector<16xf32>
      %swap3A_439 = arith.constant 40 : i32
      %swap3A_440 = arith.index_cast %swap3A_439 : i32 to index
      %swap3A_441 = arith.index_cast %mul3A_120 : i32 to index
      %swap3A_442 = tpu.vector_load %arg12[%swap3A_440, %swap3A_441] {strides = array<i32>} : memref<56x512xf32, #tpu.memory_space<vmem>>, vector<16xf32>,
      tpu.vector_store %arg12[%swap3A_440, %swap3A_441], %mul3A_438 {strides = array<i32>} : memref<56x512xf32, #tpu.memory_space<vmem>>, vector<16xf32>,
      %mul3A_443 = arith.mulf %div3A_231, %gather3A_204 : vector<16xf32>
      %swap3A_444 = arith.constant 41 : i32
      %swap3A_445 = arith.index_cast %swap3A_444 : i32 to index
      %swap3A_446 = arith.index_cast %mul3A_120 : i32 to index
      %swap3A_447 = tpu.vector_load %arg12[%swap3A_445, %swap3A_446] {strides = array<i32>} : memref<56x512xf32, #tpu.memory_space<vmem>>, vector<16xf32>,
      tpu.vector_store %arg12[%swap3A_445, %swap3A_446], %mul3A_443 {strides = array<i32>} : memref<56x512xf32, #tpu.memory_space<vmem>>, vector<16xf32>,
      %mul3A_448 = arith.mulf %div3A_234, %gather3A_162 : vector<16xf32>
      %swap3A_449 = arith.constant 42 : i32
      %swap3A_450 = arith.index_cast %swap3A_449 : i32 to index
      %swap3A_451 = arith.index_cast %mul3A_120 : i32 to index
      %swap3A_452 = tpu.vector_load %arg12[%swap3A_450, %swap3A_451] {strides = array<i32>} : memref<56x512xf32, #tpu.memory_space<vmem>>, vector<16xf32>,
      tpu.vector_store %arg12[%swap3A_450, %swap3A_451], %mul3A_448 {strides = array<i32>} : memref<56x512xf32, #tpu.memory_space<vmem>>, vector<16xf32>,
      %mul3A_453 = arith.mulf %div3A_234, %gather3A_168 : vector<16xf32>
      %swap3A_454 = arith.constant 43 : i32
      %swap3A_455 = arith.index_cast %swap3A_454 : i32 to index
      %swap3A_456 = arith.index_cast %mul3A_120 : i32 to index
      %swap3A_457 = tpu.vector_load %arg12[%swap3A_455, %swap3A_456] {strides = array<i32>} : memref<56x512xf32, #tpu.memory_space<vmem>>, vector<16xf32>,
      tpu.vector_store %arg12[%swap3A_455, %swap3A_456], %mul3A_453 {strides = array<i32>} : memref<56x512xf32, #tpu.memory_space<vmem>>, vector<16xf32>,
      %mul3A_458 = arith.mulf %div3A_234, %gather3A_174 : vector<16xf32>
      %swap3A_459 = arith.constant 44 : i32
      %swap3A_460 = arith.index_cast %swap3A_459 : i32 to index
      %swap3A_461 = arith.index_cast %mul3A_120 : i32 to index
      %swap3A_462 = tpu.vector_load %arg12[%swap3A_460, %swap3A_461] {strides = array<i32>} : memref<56x512xf32, #tpu.memory_space<vmem>>, vector<16xf32>,
      tpu.vector_store %arg12[%swap3A_460, %swap3A_461], %mul3A_458 {strides = array<i32>} : memref<56x512xf32, #tpu.memory_space<vmem>>, vector<16xf32>,
      %mul3A_463 = arith.mulf %div3A_234, %gather3A_180 : vector<16xf32>
      %swap3A_464 = arith.constant 45 : i32
      %swap3A_465 = arith.index_cast %swap3A_464 : i32 to index
      %swap3A_466 = arith.index_cast %mul3A_120 : i32 to index
      %swap3A_467 = tpu.vector_load %arg12[%swap3A_465, %swap3A_466] {strides = array<i32>} : memref<56x512xf32, #tpu.memory_space<vmem>>, vector<16xf32>,
      tpu.vector_store %arg12[%swap3A_465, %swap3A_466], %mul3A_463 {strides = array<i32>} : memref<56x512xf32, #tpu.memory_space<vmem>>, vector<16xf32>,
      %mul3A_468 = arith.mulf %div3A_234, %gather3A_186 : vector<16xf32>
      %swap3A_469 = arith.constant 46 : i32
      %swap3A_470 = arith.index_cast %swap3A_469 : i32 to index
      %swap3A_471 = arith.index_cast %mul3A_120 : i32 to index
      %swap3A_472 = tpu.vector_load %arg12[%swap3A_470, %swap3A_471] {strides = array<i32>} : memref<56x512xf32, #tpu.memory_space<vmem>>, vector<16xf32>,
      tpu.vector_store %arg12[%swap3A_470, %swap3A_471], %mul3A_468 {strides = array<i32>} : memref<56x512xf32, #tpu.memory_space<vmem>>, vector<16xf32>,
      %mul3A_473 = arith.mulf %div3A_234, %gather3A_192 : vector<16xf32>
      %swap3A_474 = arith.constant 47 : i32
      %swap3A_475 = arith.index_cast %swap3A_474 : i32 to index
      %swap3A_476 = arith.index_cast %mul3A_120 : i32 to index
      %swap3A_477 = tpu.vector_load %arg12[%swap3A_475, %swap3A_476] {strides = array<i32>} : memref<56x512xf32, #tpu.memory_space<vmem>>, vector<16xf32>,
      tpu.vector_store %arg12[%swap3A_475, %swap3A_476], %mul3A_473 {strides = array<i32>} : memref<56x512xf32, #tpu.memory_space<vmem>>, vector<16xf32>,
      %mul3A_478 = arith.mulf %div3A_234, %gather3A_204 : vector<16xf32>
      %swap3A_479 = arith.constant 48 : i32
      %swap3A_480 = arith.index_cast %swap3A_479 : i32 to index
      %swap3A_481 = arith.index_cast %mul3A_120 : i32 to index
      %swap3A_482 = tpu.vector_load %arg12[%swap3A_480, %swap3A_481] {strides = array<i32>} : memref<56x512xf32, #tpu.memory_space<vmem>>, vector<16xf32>,
      tpu.vector_store %arg12[%swap3A_480, %swap3A_481], %mul3A_478 {strides = array<i32>} : memref<56x512xf32, #tpu.memory_space<vmem>>, vector<16xf32>,
      %mul3A_483 = arith.mulf %div3A_237, %gather3A_162 : vector<16xf32>
      %swap3A_484 = arith.constant 49 : i32
      %swap3A_485 = arith.index_cast %swap3A_484 : i32 to index
      %swap3A_486 = arith.index_cast %mul3A_120 : i32 to index
      %swap3A_487 = tpu.vector_load %arg12[%swap3A_485, %swap3A_486] {strides = array<i32>} : memref<56x512xf32, #tpu.memory_space<vmem>>, vector<16xf32>,
      tpu.vector_store %arg12[%swap3A_485, %swap3A_486], %mul3A_483 {strides = array<i32>} : memref<56x512xf32, #tpu.memory_space<vmem>>, vector<16xf32>,
      %mul3A_488 = arith.mulf %div3A_237, %gather3A_168 : vector<16xf32>
      %swap3A_489 = arith.constant 50 : i32
      %swap3A_490 = arith.index_cast %swap3A_489 : i32 to index
      %swap3A_491 = arith.index_cast %mul3A_120 : i32 to index
      %swap3A_492 = tpu.vector_load %arg12[%swap3A_490, %swap3A_491] {strides = array<i32>} : memref<56x512xf32, #tpu.memory_space<vmem>>, vector<16xf32>,
      tpu.vector_store %arg12[%swap3A_490, %swap3A_491], %mul3A_488 {strides = array<i32>} : memref<56x512xf32, #tpu.memory_space<vmem>>, vector<16xf32>,
      %mul3A_493 = arith.mulf %div3A_237, %gather3A_174 : vector<16xf32>
      %swap3A_494 = arith.constant 51 : i32
      %swap3A_495 = arith.index_cast %swap3A_494 : i32 to index
      %swap3A_496 = arith.index_cast %mul3A_120 : i32 to index
      %swap3A_497 = tpu.vector_load %arg12[%swap3A_495, %swap3A_496] {strides = array<i32>} : memref<56x512xf32, #tpu.memory_space<vmem>>, vector<16xf32>,
      tpu.vector_store %arg12[%swap3A_495, %swap3A_496], %mul3A_493 {strides = array<i32>} : memref<56x512xf32, #tpu.memory_space<vmem>>, vector<16xf32>,
      %mul3A_498 = arith.mulf %div3A_237, %gather3A_180 : vector<16xf32>
      %swap3A_499 = arith.constant 52 : i32
      %swap3A_500 = arith.index_cast %swap3A_499 : i32 to index
      %swap3A_501 = arith.index_cast %mul3A_120 : i32 to index
      %swap3A_502 = tpu.vector_load %arg12[%swap3A_500, %swap3A_501] {strides = array<i32>} : memref<56x512xf32, #tpu.memory_space<vmem>>, vector<16xf32>,
      tpu.vector_store %arg12[%swap3A_500, %swap3A_501], %mul3A_498 {strides = array<i32>} : memref<56x512xf32, #tpu.memory_space<vmem>>, vector<16xf32>,
      %mul3A_503 = arith.mulf %div3A_237, %gather3A_186 : vector<16xf32>
      %swap3A_504 = arith.constant 53 : i32
      %swap3A_505 = arith.index_cast %swap3A_504 : i32 to index
      %swap3A_506 = arith.index_cast %mul3A_120 : i32 to index
      %swap3A_507 = tpu.vector_load %arg12[%swap3A_505, %swap3A_506] {strides = array<i32>} : memref<56x512xf32, #tpu.memory_space<vmem>>, vector<16xf32>,
      tpu.vector_store %arg12[%swap3A_505, %swap3A_506], %mul3A_503 {strides = array<i32>} : memref<56x512xf32, #tpu.memory_space<vmem>>, vector<16xf32>,
      %mul3A_508 = arith.mulf %div3A_237, %gather3A_192 : vector<16xf32>
      %swap3A_509 = arith.constant 54 : i32
      %swap3A_510 = arith.index_cast %swap3A_509 : i32 to index
      %swap3A_511 = arith.index_cast %mul3A_120 : i32 to index
      %swap3A_512 = tpu.vector_load %arg12[%swap3A_510, %swap3A_511] {strides = array<i32>} : memref<56x512xf32, #tpu.memory_space<vmem>>, vector<16xf32>,
      tpu.vector_store %arg12[%swap3A_510, %swap3A_511], %mul3A_508 {strides = array<i32>} : memref<56x512xf32, #tpu.memory_space<vmem>>, vector<16xf32>,
      %mul3A_513 = arith.mulf %div3A_237, %gather3A_198 : vector<16xf32>
      %swap3A_514 = arith.constant 55 : i32
      %swap3A_515 = arith.index_cast %swap3A_514 : i32 to index
      %swap3A_516 = arith.index_cast %mul3A_120 : i32 to index
      %swap3A_517 = tpu.vector_load %arg12[%swap3A_515, %swap3A_516] {strides = array<i32>} : memref<56x512xf32, #tpu.memory_space<vmem>>, vector<16xf32>,
      tpu.vector_store %arg12[%swap3A_515, %swap3A_516], %mul3A_513 {strides = array<i32>} : memref<56x512xf32, #tpu.memory_space<vmem>>, vector<16xf32>,
    }
    %scan3A_55 = arith.constant 16 : i32
    %add3A_56 = arith.constant 256 : i32
    %add3A_57 = arith.addi %mul3A_2, %add3A_56 : i32
    %dma_start3A_58 = arith.constant 0 : i32
    %dma_start3A_59 = arith.constant 256 : i32
    %dma_start3A_60 = tpu.memref_slice %arg11[%dma_start3A_58, %dma_start3A_59] : memref<2x512xf32, #tpu.memory_space<vmem>> -> memref<2x256xf32, #tpu.memory_space<vmem>>
    %dma_start3A_61 = arith.constant 0 : i32
    %dma_start3A_62 = tpu.memref_slice %arg5[%dma_start3A_61, %add3A_57] : memref<2x16384xf32, #tpu.memory_space<hbm>> -> memref<2x256xf32, #tpu.memory_space<hbm>>
    %dma_start3A_63 = arith.constant 0 : i32
    %dma_start3A_64 = tpu.memref_slice %arg5[%dma_start3A_63, %add3A_57] : memref<2x16384xf32, #tpu.memory_space<hbm>> -> memref<2x256xf32, #tpu.memory_space<hbm>>
    %dma_start3A_65 = arith.constant 0 : i32
    %dma_start3A_66 = arith.constant 256 : i32
    %dma_start3A_67 = tpu.memref_slice %arg11[%dma_start3A_65, %dma_start3A_66] : memref<2x512xf32, #tpu.memory_space<vmem>> -> memref<2x256xf32, #tpu.memory_space<vmem>>
    tpu.enqueue_dma source(%dma_start3A_67 : memref<2x256xf32, #tpu.memory_space<vmem>>) target(%dma_start3A_64 : memref<2x256xf32, #tpu.memory_space<hbm>>) target_semaphore(%arg15 : memref<!tpu.dma_semaphore, #tpu.memory_space<semaphore_mem>>)
    %dma_start3A_68 = arith.constant 0 : i32
    %dma_start3A_69 = arith.constant 256 : i32
    %dma_start3A_70 = tpu.memref_slice %arg12[%dma_start3A_68, %dma_start3A_69] : memref<56x512xf32, #tpu.memory_space<vmem>> -> memref<56x256xf32, #tpu.memory_space<vmem>>
    %dma_start3A_71 = arith.constant 0 : i32
    %dma_start3A_72 = tpu.memref_slice %arg6[%dma_start3A_71, %add3A_57] : memref<56x16384xf32, #tpu.memory_space<hbm>> -> memref<56x256xf32, #tpu.memory_space<hbm>>
    %dma_start3A_73 = arith.constant 0 : i32
    %dma_start3A_74 = tpu.memref_slice %arg6[%dma_start3A_73, %add3A_57] : memref<56x16384xf32, #tpu.memory_space<hbm>> -> memref<56x256xf32, #tpu.memory_space<hbm>>
    %dma_start3A_75 = arith.constant 0 : i32
    %dma_start3A_76 = arith.constant 256 : i32
    %dma_start3A_77 = tpu.memref_slice %arg12[%dma_start3A_75, %dma_start3A_76] : memref<56x512xf32, #tpu.memory_space<vmem>> -> memref<56x256xf32, #tpu.memory_space<vmem>>
    tpu.enqueue_dma source(%dma_start3A_77 : memref<56x256xf32, #tpu.memory_space<vmem>>) target(%dma_start3A_74 : memref<56x256xf32, #tpu.memory_space<hbm>>) target_semaphore(%arg16 : memref<!tpu.dma_semaphore, #tpu.memory_space<semaphore_mem>>)
    %dma_wait3A_78 = arith.constant 0 : i32
    %dma_wait3A_79 = arith.constant 0 : i32
    %dma_wait3A_80 = tpu.memref_slice %arg11[%dma_wait3A_78, %dma_wait3A_79] : memref<2x512xf32, #tpu.memory_space<vmem>> -> memref<2x256xf32, #tpu.memory_space<vmem>>
    %dma_wait3A_81 = arith.constant 0 : i32
    %dma_wait3A_82 = tpu.memref_slice %arg5[%dma_wait3A_81, %add3A_29] : memref<2x16384xf32, #tpu.memory_space<hbm>> -> memref<2x256xf32, #tpu.memory_space<hbm>>
    %dma_wait3A_83 = arith.constant 0 : i32
    %dma_wait3A_84 = tpu.memref_slice %arg5[%dma_wait3A_83, %add3A_29] : memref<2x16384xf32, #tpu.memory_space<hbm>> -> memref<2x256xf32, #tpu.memory_space<hbm>>
    %dma_wait3A_85 = arith.constant 0 : i32
    %dma_wait3A_86 = arith.constant 0 : i32
    %dma_wait3A_87 = tpu.memref_slice %arg11[%dma_wait3A_85, %dma_wait3A_86] : memref<2x512xf32, #tpu.memory_space<vmem>> -> memref<2x256xf32, #tpu.memory_space<vmem>>
    tpu.wait_dma2 semaphore(%arg15 : memref<!tpu.dma_semaphore, #tpu.memory_space<semaphore_mem>>) src(%dma_wait3A_87 : memref<2x256xf32, #tpu.memory_space<vmem>>) dst(%dma_wait3A_84 : memref<2x256xf32, #tpu.memory_space<hbm>>)
    %dma_wait3A_88 = arith.constant 0 : i32
    %dma_wait3A_89 = arith.constant 0 : i32
    %dma_wait3A_90 = tpu.memref_slice %arg12[%dma_wait3A_88, %dma_wait3A_89] : memref<56x512xf32, #tpu.memory_space<vmem>> -> memref<56x256xf32, #tpu.memory_space<vmem>>
    %dma_wait3A_91 = arith.constant 0 : i32
    %dma_wait3A_92 = tpu.memref_slice %arg6[%dma_wait3A_91, %add3A_29] : memref<56x16384xf32, #tpu.memory_space<hbm>> -> memref<56x256xf32, #tpu.memory_space<hbm>>
    %dma_wait3A_93 = arith.constant 0 : i32
    %dma_wait3A_94 = tpu.memref_slice %arg6[%dma_wait3A_93, %add3A_29] : memref<56x16384xf32, #tpu.memory_space<hbm>> -> memref<56x256xf32, #tpu.memory_space<hbm>>
    %dma_wait3A_95 = arith.constant 0 : i32
    %dma_wait3A_96 = arith.constant 0 : i32
    %dma_wait3A_97 = tpu.memref_slice %arg12[%dma_wait3A_95, %dma_wait3A_96] : memref<56x512xf32, #tpu.memory_space<vmem>> -> memref<56x256xf32, #tpu.memory_space<vmem>>
    tpu.wait_dma2 semaphore(%arg16 : memref<!tpu.dma_semaphore, #tpu.memory_space<semaphore_mem>>) src(%dma_wait3A_97 : memref<56x256xf32, #tpu.memory_space<vmem>>) dst(%dma_wait3A_94 : memref<56x256xf32, #tpu.memory_space<hbm>>)
    %dma_wait3A_98 = arith.constant 0 : i32
    %dma_wait3A_99 = arith.constant 256 : i32
    %dma_wait3A_100 = tpu.memref_slice %arg11[%dma_wait3A_98, %dma_wait3A_99] : memref<2x512xf32, #tpu.memory_space<vmem>> -> memref<2x256xf32, #tpu.memory_space<vmem>>
    %dma_wait3A_101 = arith.constant 0 : i32
    %dma_wait3A_102 = tpu.memref_slice %arg5[%dma_wait3A_101, %add3A_57] : memref<2x16384xf32, #tpu.memory_space<hbm>> -> memref<2x256xf32, #tpu.memory_space<hbm>>
    %dma_wait3A_103 = arith.constant 0 : i32
    %dma_wait3A_104 = tpu.memref_slice %arg5[%dma_wait3A_103, %add3A_57] : memref<2x16384xf32, #tpu.memory_space<hbm>> -> memref<2x256xf32, #tpu.memory_space<hbm>>
    %dma_wait3A_105 = arith.constant 0 : i32
    %dma_wait3A_106 = arith.constant 256 : i32
    %dma_wait3A_107 = tpu.memref_slice %arg11[%dma_wait3A_105, %dma_wait3A_106] : memref<2x512xf32, #tpu.memory_space<vmem>> -> memref<2x256xf32, #tpu.memory_space<vmem>>
    tpu.wait_dma2 semaphore(%arg15 : memref<!tpu.dma_semaphore, #tpu.memory_space<semaphore_mem>>) src(%dma_wait3A_107 : memref<2x256xf32, #tpu.memory_space<vmem>>) dst(%dma_wait3A_104 : memref<2x256xf32, #tpu.memory_space<hbm>>)
    %dma_wait3A_108 = arith.constant 0 : i32
    %dma_wait3A_109 = arith.constant 256 : i32
    %dma_wait3A_110 = tpu.memref_slice %arg12[%dma_wait3A_108, %dma_wait3A_109] : memref<56x512xf32, #tpu.memory_space<vmem>> -> memref<56x256xf32, #tpu.memory_space<vmem>>
    %dma_wait3A_111 = arith.constant 0 : i32
    %dma_wait3A_112 = tpu.memref_slice %arg6[%dma_wait3A_111, %add3A_57] : memref<56x16384xf32, #tpu.memory_space<hbm>> -> memref<56x256xf32, #tpu.memory_space<hbm>>
    %dma_wait3A_113 = arith.constant 0 : i32
    %dma_wait3A_114 = tpu.memref_slice %arg6[%dma_wait3A_113, %add3A_57] : memref<56x16384xf32, #tpu.memory_space<hbm>> -> memref<56x256xf32, #tpu.memory_space<hbm>>
    %dma_wait3A_115 = arith.constant 0 : i32
    %dma_wait3A_116 = arith.constant 256 : i32
    %dma_wait3A_117 = tpu.memref_slice %arg12[%dma_wait3A_115, %dma_wait3A_116] : memref<56x512xf32, #tpu.memory_space<vmem>> -> memref<56x256xf32, #tpu.memory_space<vmem>>
    tpu.wait_dma2 semaphore(%arg16 : memref<!tpu.dma_semaphore, #tpu.memory_space<semaphore_mem>>) src(%dma_wait3A_117 : memref<56x256xf32, #tpu.memory_space<vmem>>) dst(%dma_wait3A_114 : memref<56x256xf32, #tpu.memory_space<hbm>>)
    return
  }
}

</mosaic_0001>

<sc_bundles>
// kernel: kernel.3.cloned.1.call-start
scs
__scs_entry_jumppad:
0x0: {  	(pc) =	sbr.rel $0x88, $3  }
0x1: {  	(tag) =	ssettag $0x0;
	lr =	simm.s32 $0x1  }
0x2: {  	[smem:$0x3F9E] =	sst lr;
	_ =	strace $0xD0000000  }
0x3: {  	_ = 	snop  }
0x4: {  	_ = 	snop  }
0x5: {  	_ = 	snop  }
0x6: {  	_ = 	snop  }
0x7: {  	_ = 	snop  }
__scs_overlays_trampoline_lowered:
0x8: {  	[smem:$0x3FAD] =	sst s0  }
0x9: {  	[smem:$0x3FAE] =	sst s1  }
0xa: {  	[smem:$0x3FAF] =	sst s2  }
0xb: {  	[smem:$0x3FB0] =	sst s3  }
0xc: {  	[smem:$0x3FB1] =	sst s4  }
0xd: {  	[smem:$0x3FB2] =	sst s5  }
0xe: {  	[smem:$0x3FB3] =	sst s6  }
0xf: {  	[smem:$0x3FB4] =	sst s7  }
0x10: {  	[smem:$0x3FB5] =	sst s8  }
0x11: {  	[smem:$0x3FB6] =	sst s9;
	s0 =	simm.s32 @!p0 $0x0  }
0x12: {  	s1 =	sld [smem:$0x3F9C];
	s0 =	simm.s32 @p0 $0x1  }
0x13: {  	[smem:$0x3FB7] =	sst s0;
	s0 =	simm.s32 @!p1 $0x0  }
0x14: {  	s2 =	sld [smem:$0x3F9B];
	s0 =	simm.s32 @p1 $0x1  }
0x15: {  	[smem:$0x3FB8] =	sst s0;
	s0 =	simm.s32 @!p2 $0x0  }
0x16: {  	s3 =	sld [smem:$0x3FDB];
	s0 =	simm.s32 @p2 $0x1  }
0x17: {  	s4 =	simm.s32 $0x1BF5;
	[smem:$0x3FBA] =	sst s0  }
0x18: {  	s0 =	sld [smem:$0x3F9D];
	_ =	swait.ge [sflag:s4], $0x0  }
0x19: {  	s7 =	sld [smem:$0x3F9E]  }
0x1a: {  	s8 =	sadd.s32 $0xFFFFE003, lr  }
0x1b: {  	s9 =	sadd.s32 $0xFFFFFEF7, lr;
	s5 =	simm.s32 $0xFFFFFFFF;
	p2 =	slt.u32 s8, $0xFFFFF086  }
0x1c: {  	p1 =	slt.u32 s9, $0xF7A;
	s5 =	simm.s32 @!p2 $0x0  }
0x1d: {  	s5 =	simm.s32 @p1 $0x1;
	p0 =	seq.s32 s7, s2  }
0x1e: {  	s7 =	smul.u32 @!p0 $0xF7A, s2;
	p2 =	seq.s32 @!p0 s5, $0x0  }
0x1f: {  	s9 =	smul.u32 $0xF7A, s1;
	s8 =	simm.s32 @!p0 $0x1BF5;
	p2 =	por !p2, p0  }
0x20: {  	[sflag:s8] =	ssyncset.s32 @!p0 $0xFFFFF086;
	s6 =	sadd.s32 @!p0 s3, s7;
	s7 =	simm.s32 @!p0 $0x108  }
0x21: {  	s3 =	sadd.s32 s3, s9;
	s6 =	sadd.s32 @!p0 $0x88, s6;
	s7 =	simm.s32 @p2 $0x1082  }
0x22: {  	[simem:s7], [sflag:s8] =	dma.local @!p0 [hbm:s6], $0xF7A  }
0x23: {  	s9 =	sor.u32 $0xD0000000, s2;
	s6 =	simm.s32 $0x108;
	_ =	swait.ge @!p0 [sflag:s8], $0x0  }
0x24: {  	s3 =	sadd.s32 $0x88, s3;
	s6 =	simm.s32 @!p1 $0x1082;
	[sflag:s4] =	ssyncset.s32 $0xFFFFF086  }
0x25: {  	[simem:s6], [sflag:s4] =	dma.local [hbm:s3], $0xF7A  }
0x26: {  	[smem:$0x3F9E] =	sst s1;
	(tag) =	ssettag s2;
	_ =	strace s9  }
0x27: {  	s1 =	sld [smem:$0x3FAE]  }
0x28: {  	s2 =	sld [smem:$0x3FAF]  }
0x29: {  	s4 =	sld [smem:$0x3FB1]  }
0x2a: {  	p0 =	seq.s32 s5, $0x0;
	s5 =	sld [smem:$0x3FB2]  }
0x2b: {  	s6 =	sld [smem:$0x3FB3]  }
0x2c: {  	s7 =	sld [smem:$0x3FB4]  }
0x2d: {  	s3 =	simm.s32 $0x108;
	s8 =	sld [smem:$0x3FB5]  }
0x2e: {  	s3 =	simm.s32 @!p0 $0x1082;
	s9 =	sld [smem:$0x3FB6]  }
0x2f: {  	lr =	sadd.s32 s0, s3;
	s0 =	sld [smem:$0x3FAD]  }
0x30: {  	s3 =	sld [smem:$0x3FB0]  }
0x31: {  	[smem:$0x3FB9] =	sst s10  }
0x32: {  	s10 =	sld [smem:$0x3FB7];
	_ =	sdelay $0x3  }
0x33: {  	p0 =	seq.s32 s10, $0x1;
	s10 =	sld [smem:$0x3FB9];
	_ =	sdelay $0x3  }
0x34: {  	[smem:$0x3FB9] =	sst s10  }
0x35: {  	s10 =	sld [smem:$0x3FB8];
	_ =	sdelay $0x3  }
0x36: {  	p1 =	seq.s32 s10, $0x1;
	s10 =	sld [smem:$0x3FB9];
	_ =	sdelay $0x3  }
0x37: {  	[smem:$0x3FB9] =	sst s10  }
0x38: {  	s10 =	sld [smem:$0x3FBA]  }
0x39: {  	_ = 	snop;
	(pc) =	sbr.ind lr, $3  }
0x3a: {  	_ = 	snop  }
0x3b: {  	_ = 	snop  }
0x3c: {  	p2 =	seq.s32 s10, $0x1;
	s10 =	sld [smem:$0x3FB9]  }
0x3d: {  	_ =	shalt  }
0x3e: {  	_ =	shalt  }
0x3f: {  	_ =	shalt  }
0x40: {  	_ =	shalt  }
0x41: {  	_ =	shalt  }
0x42: {  	_ =	shalt  }
0x43: {  	_ =	shalt  }
0x44: {  	_ =	shalt  }
0x45: {  	_ =	shalt  }
0x46: {  	_ =	shalt  }
0x47: {  	_ =	shalt  }
0x48: {  	_ =	shalt  }
0x49: {  	_ =	shalt  }
0x4a: {  	_ =	shalt  }
0x4b: {  	_ =	shalt  }
0x4c: {  	_ =	shalt  }
0x4d: {  	_ =	shalt  }
0x4e: {  	_ =	shalt  }
0x4f: {  	_ =	shalt  }
0x50: {  	_ =	shalt  }
0x51: {  	_ =	shalt  }
0x52: {  	_ =	shalt  }
0x53: {  	_ =	shalt  }
0x54: {  	_ =	shalt  }
0x55: {  	_ =	shalt  }
0x56: {  	_ =	shalt  }
0x57: {  	_ =	shalt  }
0x58: {  	_ =	shalt  }
0x59: {  	_ =	shalt  }
0x5a: {  	_ =	shalt  }
0x5b: {  	_ =	shalt  }
0x5c: {  	_ =	shalt  }
0x5d: {  	_ =	shalt  }
0x5e: {  	_ =	shalt  }
0x5f: {  	_ =	shalt  }
0x60: {  	_ =	shalt  }
0x61: {  	_ =	shalt  }
0x62: {  	_ =	shalt  }
0x63: {  	_ =	shalt  }
0x64: {  	_ =	shalt  }
0x65: {  	_ =	shalt  }
0x66: {  	_ =	shalt  }
0x67: {  	_ =	shalt  }
0x68: {  	_ =	shalt  }
0x69: {  	_ =	shalt  }
0x6a: {  	_ =	shalt  }
0x6b: {  	_ =	shalt  }
0x6c: {  	_ =	shalt  }
0x6d: {  	_ =	shalt  }
0x6e: {  	_ =	shalt  }
0x6f: {  	_ =	shalt  }
0x70: {  	_ =	shalt  }
0x71: {  	_ =	shalt  }
0x72: {  	_ =	shalt  }
0x73: {  	_ =	shalt  }
0x74: {  	_ =	shalt  }
0x75: {  	_ =	shalt  }
0x76: {  	_ =	shalt  }
0x77: {  	_ =	shalt  }
0x78: {  	_ =	shalt  }
0x79: {  	_ =	shalt  }
0x7a: {  	_ =	shalt  }
0x7b: {  	_ =	shalt  }
0x7c: {  	_ =	shalt  }
0x7d: {  	_ =	shalt  }
0x7e: {  	_ =	shalt  }
0x7f: {  	_ =	shalt  }
0x80: {  	_ =	shalt  }
0x81: {  	_ =	shalt  }
0x82: {  	_ =	shalt  }
0x83: {  	_ =	shalt  }
0x84: {  	_ =	shalt  }
0x85: {  	_ =	shalt  }
0x86: {  	_ =	shalt  }
0x87: {  	_ =	shalt  }
.Lfunc_end0:
.L_simem_size_0:
called_computation_lowered:
.L_overlay_start_0:
0x88: {  	s2 =	sld [smem:$0x3FD9]  }
0x89: {  	s3 =	sld [smem:$0x3FFE];
	_ =	sdelay $0x1  }
0x8a: {  	s1 =	srdreg.scid  }
0x8b: {  	s0 =	sand.u32 $0x1, s1  }
0x8c: {  	s15 =	sshll.u32 s0, $0xA;
	s2 =	sadd.s32 s3, s2  }
0x8d: {  	s2 =	sadd.s32 s2, s15  }
0x8e: {  	[smem:$0x3FC5] =	sst s2  }
0x8f: {  	_ = 	snop  }
0x90: {  	s2 =	sld [smem:$0x3FD0]  }
0x91: {  	s16 =	sld [smem:$0x3FC9]  }
0x92: {  	s4 =	sld [smem:$0x3FC8]  }
0x93: {  	s6 =	simm.s32 $0xA;
	s7 =	simm.s32 $0x10;
	s5 =	sld [smem:$0x3FC7]  }
0x94: {  	[smem:s7], [sflag:s6] =	dma.local [hbm:s2], $0x1  }
0x95: {  	_ =	swait.eq [sflag:s6], $0x1  }
0x96: {  	[sflag:s6] =	ssyncset.done $0x0  }
0x97: {  	s17 =	sld [smem:$0x10];
	[sflag:s6] =	ssyncadd.s32 $0xFFFFFFFF  }
0x98: {  	s18 =	sld [smem:$0x11];
	(tm) =	ssettm $0x1  }
0x99: {  	s19 =	sld [smem:$0x3FFB];
	_ =	sdelay $0x3  }
0x9a: {  	_ =	strace s19  }
0x9b: {  	s7 =	sld [smem:$0x3FFC];
	_ =	sdelay $0x3  }
0x9c: {  	_ =	strace s7  }
0x9d: {  	s7 =	sld [smem:$0x3FFD];
	_ =	sdelay $0x3  }
0x9e: {  	_ =	strace s7  }
0x9f: {  	_ =	strace $0x8FFFFFFF  }
0xa0: {  	s20 =	sld [smem:$0x3FDB];
	_ =	sdelay $0x1  }
0xa1: {  	s8 =	simm.s32 $_scs_section_size  }
0xa2: {  	s9 =	simm.s32 $_size__tile_overlayer_lowered;
	s10 =	simm.s32 $_tile_overlayer_lowered  }
0xa3: {  	s23 =	simm.s32 $0x1BFF;
	s22 =	sshll.u32 s10, $0x1;
	s7 =	sadd.s32 s8, s20  }
0xa4: {  	s11 =	simm.s32 $0x0;
	s21 =	sshll.u32 s9, $0x1;
	s9 =	sadd.s32 s22, s7  }
0xa5: {  	[timem:s11], [sflag:s23] =	dma.local [hbm:s9], s21  }
0xa6: {  	_ =	swait.ge [sflag:s23], s21  }
0xa7: {  	s8 =	ssub.s32 $0x0, s21;
	[sflag:s23] =	ssyncset.done $0x0  }
0xa8: {  	[sflag:s23] =	ssyncadd.s32 s8;
	_ =	sdelay $0x1  }
0xa9: {  	s24 =	simm.s32 $0x1B8B  }
0xaa: {  	_ =	swait.ge [sflag:s24], $0x1  }
0xab: {  	[sflag:s24] =	ssyncset.done $0x0  }
0xac: {  	s25 =	simm.s32 $0x1B8E;
	[sflag:s24] =	ssyncadd.s32 $0xFFFFFFFF  }
0xad: {  	s26 =	simm.s32 $execute0_lowered;
	[smem:$0x3FD2] =	sst s25  }
0xae: {  	s8 =	sshll.u32 s26, $0x1;
	_ =	strace $0x80000046;
	[dreg:$0x1] =	wrdreg $0xFFFFFFFF  }
0xaf: {  	s28 =	simm.s32 $_size_execute0_lowered;
	s7 =	sadd.s32 s7, s8;
	[dreg:$0x0] =	wrdreg $0x0  }
0xb0: {  	s8 =	sshll.u32 s28, $0x1;
	[dreg:$0x2] =	wrdreg s7  }
0xb1: {  	[dreg:$0x3] =	wrdreg s8  }
0xb2: {  	[dreg:$0x4] =	wrdreg $0xC0  }
0xb3: {  	_ =	task [dreg:s11], $0x5FFFF  }
0xb4: {  	[dreg:$0x1] =	wrdreg $0xFFFFFFFF  }
0xb5: {  	[dreg:$0x0] =	wrdreg $0x60  }
0xb6: {  	[dreg:$0x2] =	wrdreg s16  }
0xb7: {  	[dreg:$0x3] =	wrdreg s4  }
0xb8: {  	[dreg:$0x4] =	wrdreg s5  }
0xb9: {  	[dreg:$0x5] =	wrdreg s17  }
0xba: {  	[dreg:$0x6] =	wrdreg s18  }
0xbb: {  	[dreg:$0x7] =	wrdreg $0x9  }
0xbc: {  	_ =	task.clear_ibuf [dreg:s11], $0x8FFFF;
	_ =	strace $0x90000046  }
0xbd: {  	s29 =	simm.s32 $0x9;
	_ =	strace $0x80000048  }
0xbe: {  	_ =	swait.ge [sflag:s29], $0x1  }
0xbf: {  	[sflag:s29] =	ssyncadd.s32 $0xFFFFFFFF  }
0xc0: {  	_ =	strace $0x90000048  }
0xc1: {  	_ =	sfence  }
0xc2: {  	s30 =	sld [smem:$0x0];
	_ =	sdelay $0x2  }
0xc3: {  	s31 =	sshll.u32 s1, $0xD;
	s1 =	sshrl.u32 s1, $0x2  }
0xc4: {  	s3 =	sand.u32 $0x4000, s31;
	s1 =	sadd.s32 s1, s30  }
0xc5: {  	s0 =	sor.u32 s3, s0;
	s1 =	sshll.u32 s1, $0x11  }
0xc6: {  	s0 =	sor.u32 s1, s0  }
0xc7: {  	s0 =	sadd.s32 $0x8F2B, s0  }
0xc8: {  	[sflag:s0] =	ssyncadd.remote.s32 $0x1  }
0xc9: {  	_ =	sfence.sel $0xFFFF  }
0xca: {  	[dreg:$0x0] =	wrdreg $0xFFFFFFFF;
	(pc) =	sbr.abs _section_cstart, $3  }
0xcb: {  	[dreg:$0x1] =	wrdreg $0xFFFFFFFF  }
0xcc: {  	_ =	task.clear_ibuf [dreg:s11], $0x2FFFF;
	_ =	strace $0x9FFFFFFF  }
0xcd: {  	(tm) =	ssettm $0x7FFFFFFF  }
tec
execute0_lowered:
.L_overlay_start_1:
0x0: {  	(tag) =	ssettag $0x1  }
0x1: {  	s0 =	rddreg [dreg:$0x0]  }
0x2: {  	s1 =	rddreg [dreg:$0x1]  }
0x3: {  	s2 =	rddreg [dreg:$0x3]  }
0x4: {  	s9 =	rddreg [dreg:$0x4];
	s4 =	srdreg.scid;
	s3 =	simm.s32 $0x0  }
0x5: {  	s6 =	stileid.u32;
	s15 =	simm.s32 $0x5;
	s16 =	simm.s32 $0x1  }
0x6: {  	s17 =	simm.s32 $0x2;
	s18 =	simm.s32 $0x200;
	s28 =	simm.s32 $0x2E00  }
0x7: {  	s29 =	simm.s32 $0x3800;
	s30 =	simm.s32 $0x4800;
	s31 =	simm.s32 $0x5800  }
0x8: {  	s11 =	simm.s32 $0x9800;
	s12 =	simm.s32 $0x3;
	s13 =	simm.s32 $0x4  }
0x9: {  	s14 =	simm.s32 $0x0;
	s4 =	sand.u32 $0x1, s4;
	s6 =	sshll.u32 s6, $0xA  }
0xa: {  	[smem:$0x7FF] =	sst s3;
	s5 =	ssub.s32 $0x2, s4;
	s4 =	sshll.u32 s4, $0x9  }
0xb: {  	_ =	strace $0x80000047;
	s7 =	sshrl.u32 s5, $0x1;
	s8 =	sor.u32 s4, s6  }
0xc: {  	s10 =	ssub.s32 s5, s7;
	s4 =	sshrl.u32 s8, $0x1;
	s23 =	sshrl.u32 s8, $0x2  }
0xd: {  	s24 =	sshrl.u32 s8, $0x7;
	s5 =	sadd.s32 s1, s8;
	s7 =	sadd.s32 s9, s8  }
0xe: {  	s1 =	simm.s32 $0x8800;
	s4 =	sadd.s32 s0, s4;
	s25 =	sor.u32 $0x2, s24  }
0xf: {  	s6 =	sadd.s32 s2, s23;
	s26 =	sshll.u32 s25, $0x5;
	s0 =	sshll.u32 s25, $0x7  }
0x10: {  	s10 =	smax.u32 s10, $0x1;
	s8 =	sadd.s32 s2, s26;
	s9 =	sadd.s32 s9, s0  }
0x11: {  	v0 =	vlaneseq.u32;
	s26 =	simm.s32 $0x9000;
	s0 =	simm.s32 $0x6800;
	s2 =	simm.s32 $0x7800  }
.LBB2_1:
0x12: {  	v1 =	vor.u32 s3, v0  }
0x13: {  	vm0 =	vlt.s32 v1, $0x1B8  }
0x14: {  	s19 =	simm.s32 $0x400;
	v1 =	vnsel vm0, $0x1B8, v1  }
0x15: {  	[tilespmem:s19], [sflag:$0x1] =	stream.linear.gather [hbm4b:s4+s3], $0x800, $0x38;
	v2 =	vmul.u32 $0xC31, v1;
	[tilespmem:$0xA000] =	vst v63  }
0x16: {  	s22 =	simm.s32 $0x1000;
	s20 =	simm.s32 $0x20000;
	s21 =	simm.s32 $0xC00  }
0x17: {  	[tilespmem:s21], [sflag:$0x2] =	stream.strided.gather [hbm4b:s5+s22], $0x2000, s20, s22, $0x38;
	v2 =	vshrl.u32 v2, $0x10;
	[tilespmem:$0xA000] =	vst v63  }
0x18: {  	s23 =	rddreg [dreg:$0x2];
	v3 =	vmul.u32 $0xFFFFFFEB, v2  }
0x19: {  	[tilespmem:s3], [sflag:$0x5] =	stream.linear.gather [hbm4b:s23+s3], $0x180, $0x38;
	v4 =	vor.u32 $0x80, v2;
	[tilespmem:$0xA000] =	vst v63  }
0x1a: {  	_ =	swait.ge [sflag:s15], $0x180;
	v1 =	vadd.s32 v1, v3  }
0x1b: {  	[sflag:s15] =	ssyncset.done $0x0;
	v3 =	vadd.s32 $0x80, v1  }
0x1c: {  	v6 =	vor.u32 $0x100, v2;
	[sflag:s15] =	ssyncadd.s32 $0xFFFFFE80  }
0x1d: {  	v5 =	vadd.s32 $0x100, v1;
	v2 =	vld.idx.msk [tilespmem:v2+s3+$0x0], $0xffff  }
0x1e: {  	v4 =	vld.idx.msk [tilespmem:v4+s3+$0x0], $0xffff  }
0x1f: {  	v1 =	vld.idx.msk [tilespmem:v1+s3+$0x0], $0xffff  }
0x20: {  	v3 =	vld.idx.msk [tilespmem:v3+s3+$0x0], $0xffff  }
0x21: {  	v6 =	vld.idx.msk [tilespmem:v6+s3+$0x0], $0xffff  }
0x22: {  	v5 =	vld.idx.msk [tilespmem:v5+s3+$0x0], $0xffff;
	_ =	sdelay $0x2  }
0x23: {  	v1 =	vsub.f32 v2, v1;
	v2 =	vsub.f32 v4, v3;
	_ =	sdelay $0x1  }
0x24: {  	v3 =	vsub.f32 v6, v5;
	v1 =	vmul.f32 v1, v1;
	v2 =	vmul.f32 v2, v2;
	_ =	sdelay $0x1  }
0x25: {  	v1 =	vadd.f32 v2, v1;
	v2 =	vmul.f32 v3, v3;
	_ =	sdelay $0x1  }
0x26: {  	v1 =	vadd.f32 v2, v1;
	_ =	sdelay $0x1  }
0x27: {  	v2 =	vshra.s32 v1, $0x1;
	v3 =	vmul.f32 $5.000000000e-01, v1  }
0x28: {  	v2 =	vsub.s32 $0x5F3759DF, v2  }
0x29: {  	v58 =	vmul.f32 v2, v3;
	_ =	sdelay $0x1  }
0x2a: {  	v4 =	vmul.f32 v2, v58;
	_ =	sdelay $0x1  }
0x2b: {  	v4 =	vsub.f32 $1.500000000e+00, v4;
	_ =	sdelay $0x1  }
0x2c: {  	v2 =	vmul.f32 v2, v4;
	_ =	sdelay $0x1  }
0x2d: {  	v4 =	vmul.f32 v2, v3;
	_ =	sdelay $0x1  }
0x2e: {  	v4 =	vmul.f32 v4, v2;
	_ =	sdelay $0x1  }
0x2f: {  	v4 =	vsub.f32 $1.500000000e+00, v4;
	_ =	sdelay $0x1  }
0x30: {  	v2 =	vmul.f32 v4, v2;
	_ =	sdelay $0x1  }
0x31: {  	v3 =	vmul.f32 v2, v3;
	_ =	sdelay $0x1  }
0x32: {  	v3 =	vmul.f32 v3, v2;
	_ =	sdelay $0x1  }
0x33: {  	v3 =	vsub.f32 $1.500000000e+00, v3;
	_ =	sdelay $0x1  }
0x34: {  	v2 =	vmul.f32 v3, v2;
	_ =	sdelay $0x1  }
0x35: {  	v2 =	vmul.f32 v2, v1;
	_ =	sdelay $0x1  }
0x36: {  	v2 =	vmul.f32 $-1.000000000e+01, v2;
	_ =	sdelay $0x1  }
0x37: {  	v2 =	vmul.f32 $1.442695020e+00, v2  }
0x38: {  	s24 =	simm.s32 $0x10;
	vm13 =	vgt.f32 v1, $0.0e+00  }
0x39: {  	v1 =	vor.u32 s24, v0;
	v2 =	vnsel vm13, $0x80000000, v2  }
0x3a: {  	vm14 =	vlt.s32 v1, $0x1B8;
	(erf) = vpow2.f32 v2  }
0x3b: {  	v1 =	vnsel vm14, $0x1B8, v1  }
0x3c: {  	v2 =	vmul.u32 $0xC31, v1;
	_ =	sdelay $0x1  }
0x3d: {  	v2 =	vshrl.u32 v2, $0x10  }
0x3e: {  	v3 =	vmul.u32 $0xFFFFFFEB, v2;
	_ =	sdelay $0x1  }
0x3f: {  	v1 =	vadd.s32 v1, v3  }
0x40: {  	v3 =	vadd.s32 $0x80, v1  }
0x41: {  	v59 =	vor.u32 $0x80, v2;
	v60 =	vpop (erf)  }
0x42: {  	v5 =	vadd.f32 $1.000000050e-03, v60;
	_ =	sdelay $0x1  }
0x43: {  	v61 =	vadd.s32 $0x100, v1;
	[tilespmem:s18+$0x0] =	vst v5  }
0x44: {  	v62 =	vor.u32 $0x100, v2;
	v3 =	vld.idx.msk [tilespmem:v3+s3+$0x0], $0xffff  }
0x45: {  	v4 =	vld.idx.msk [tilespmem:v59+s3+$0x0], $0xffff  }
0x46: {  	v1 =	vld.idx.msk [tilespmem:v1+s3+$0x0], $0xffff  }
0x47: {  	v2 =	vld.idx.msk [tilespmem:v2+s3+$0x0], $0xffff  }
0x48: {  	v6 =	vld.idx.msk [tilespmem:v61+s3+$0x0], $0xffff  }
0x49: {  	v5 =	vld.idx.msk [tilespmem:v62+s3+$0x0], $0xffff;
	_ =	sdelay $0x2  }
0x4a: {  	v1 =	vsub.f32 v2, v1;
	v2 =	vsub.f32 v4, v3;
	_ =	sdelay $0x1  }
0x4b: {  	v3 =	vsub.f32 v5, v6;
	v1 =	vmul.f32 v1, v1;
	v2 =	vmul.f32 v2, v2;
	_ =	sdelay $0x1  }
0x4c: {  	v1 =	vadd.f32 v2, v1;
	v2 =	vmul.f32 v3, v3;
	_ =	sdelay $0x1  }
0x4d: {  	v1 =	vadd.f32 v2, v1;
	_ =	sdelay $0x1  }
0x4e: {  	v2 =	vshra.s32 v1, $0x1;
	v3 =	vmul.f32 $5.000000000e-01, v1  }
0x4f: {  	v2 =	vsub.s32 $0x5F3759DF, v2  }
0x50: {  	v63 =	vmul.f32 v2, v3;
	_ =	sdelay $0x1  }
0x51: {  	v4 =	vmul.f32 v2, v63;
	_ =	sdelay $0x1  }
0x52: {  	v4 =	vsub.f32 $1.500000000e+00, v4;
	_ =	sdelay $0x1  }
0x53: {  	v2 =	vmul.f32 v2, v4;
	_ =	sdelay $0x1  }
0x54: {  	v4 =	vmul.f32 v2, v3;
	_ =	sdelay $0x1  }
0x55: {  	v4 =	vmul.f32 v4, v2;
	_ =	sdelay $0x1  }
0x56: {  	v4 =	vsub.f32 $1.500000000e+00, v4;
	_ =	sdelay $0x1  }
0x57: {  	v2 =	vmul.f32 v4, v2;
	_ =	sdelay $0x1  }
0x58: {  	v3 =	vmul.f32 v2, v3;
	_ =	sdelay $0x1  }
0x59: {  	v3 =	vmul.f32 v3, v2;
	_ =	sdelay $0x1  }
0x5a: {  	v3 =	vsub.f32 $1.500000000e+00, v3;
	_ =	sdelay $0x1  }
0x5b: {  	v2 =	vmul.f32 v3, v2;
	_ =	sdelay $0x1  }
0x5c: {  	v2 =	vmul.f32 v2, v1;
	_ =	sdelay $0x1  }
0x5d: {  	v2 =	vmul.f32 $-1.000000000e+01, v2;
	_ =	sdelay $0x1  }
0x5e: {  	v2 =	vmul.f32 $1.442695020e+00, v2  }
0x5f: {  	s25 =	simm.s32 $0x20;
	vm15 =	vgt.f32 v1, $0.0e+00  }
0x60: {  	v3 =	vor.u32 s25, v0;
	v2 =	vnsel vm15, $0x80000000, v2  }
0x61: {  	vm1 =	vlt.s32 v3, $0x1B8;
	(erf) = vpow2.f32 v2  }
0x62: {  	v1 =	vnsel vm1, $0x1B8, v3  }
0x63: {  	s19 =	simm.s32 $0x200;
	s20 =	simm.s32 $0x30;
	v2 =	vmul.u32 $0xC31, v1  }
.LBB2_2:
0x64: {  	p0 =	sne.s32 s20, $0x1B0  }
0x65: {  	v2 =	vshrl.u32 v2, $0x10  }
0x66: {  	v3 =	vmul.u32 $0xFFFFFFEB, v2;
	_ =	sdelay $0x1  }
0x67: {  	v1 =	vadd.s32 v1, v3  }
0x68: {  	v3 =	vadd.s32 $0x80, v1  }
0x69: {  	v4 =	vor.u32 $0x80, v2;
	v5 =	vpop (erf)  }
0x6a: {  	v5 =	vadd.f32 $1.000000050e-03, v5  }
0x6b: {  	s19 =	sadd.s32 $0x10, s19  }
0x6c: {  	v6 =	vadd.s32 $0x100, v1;
	[tilespmem:s19+$0x0] =	vst v5  }
0x6d: {  	v5 =	vor.u32 $0x100, v2;
	v3 =	vld.idx.msk [tilespmem:v3+s3+$0x0], $0xffff  }
0x6e: {  	v4 =	vld.idx.msk [tilespmem:v4+s3+$0x0], $0xffff  }
0x6f: {  	v1 =	vld.idx.msk [tilespmem:v1+s3+$0x0], $0xffff  }
0x70: {  	v2 =	vld.idx.msk [tilespmem:v2+s3+$0x0], $0xffff  }
0x71: {  	v6 =	vld.idx.msk [tilespmem:v6+s3+$0x0], $0xffff  }
0x72: {  	v5 =	vld.idx.msk [tilespmem:v5+s3+$0x0], $0xffff;
	_ =	sdelay $0x3  }
0x73: {  	v1 =	vsub.f32 v2, v1;
	v2 =	vsub.f32 v4, v3;
	_ =	sdelay $0x1  }
0x74: {  	v1 =	vmul.f32 v1, v1;
	v2 =	vmul.f32 v2, v2;
	v3 =	vsub.f32 v5, v6;
	_ =	sdelay $0x1  }
0x75: {  	v1 =	vadd.f32 v2, v1;
	v2 =	vmul.f32 v3, v3;
	_ =	sdelay $0x1  }
0x76: {  	v1 =	vadd.f32 v2, v1;
	_ =	sdelay $0x1  }
0x77: {  	v2 =	vshra.s32 v1, $0x1;
	v3 =	vmul.f32 $5.000000000e-01, v1  }
0x78: {  	v2 =	vsub.s32 $0x5F3759DF, v2  }
0x79: {  	v4 =	vmul.f32 v2, v3;
	_ =	sdelay $0x1  }
0x7a: {  	v4 =	vmul.f32 v2, v4;
	_ =	sdelay $0x1  }
0x7b: {  	v4 =	vsub.f32 $1.500000000e+00, v4;
	_ =	sdelay $0x1  }
0x7c: {  	v2 =	vmul.f32 v2, v4;
	_ =	sdelay $0x1  }
0x7d: {  	v4 =	vmul.f32 v2, v3;
	_ =	sdelay $0x1  }
0x7e: {  	v4 =	vmul.f32 v4, v2;
	_ =	sdelay $0x1  }
0x7f: {  	v4 =	vsub.f32 $1.500000000e+00, v4;
	_ =	sdelay $0x1  }
0x80: {  	v2 =	vmul.f32 v4, v2;
	_ =	sdelay $0x1  }
0x81: {  	v3 =	vmul.f32 v2, v3;
	_ =	sdelay $0x1  }
0x82: {  	v3 =	vmul.f32 v3, v2;
	_ =	sdelay $0x1  }
0x83: {  	v3 =	vsub.f32 $1.500000000e+00, v3;
	_ =	sdelay $0x1  }
0x84: {  	v2 =	vmul.f32 v3, v2;
	_ =	sdelay $0x1  }
0x85: {  	v2 =	vmul.f32 v2, v1;
	_ =	sdelay $0x1  }
0x86: {  	v2 =	vmul.f32 $-1.000000000e+01, v2;
	_ =	sdelay $0x1  }
0x87: {  	v2 =	vmul.f32 $1.442695020e+00, v2  }
.Ltmp0:
0x88: {  	vm0 =	vgt.f32 v1, $0.0e+00;
	(pc) =	sbr.rel @p0 .LBB2_2-.Ltmp0, $4  }
0x89: {  	v1 =	vor.u32 s20, v0;
	v2 =	vnsel vm0, $0x80000000, v2  }
0x8a: {  	vm0 =	vlt.s32 v1, $0x1B8;
	(erf) = vpow2.f32 v2  }
0x8b: {  	v1 =	vnsel vm0, $0x1B8, v1  }
0x8c: {  	s20 =	sadd.s32 $0x10, s20;
	v2 =	vmul.u32 $0xC31, v1  }
0x8d: {  	_ = 	snop  }
0x8e: {  	v2 =	vshrl.u32 v2, $0x10  }
0x8f: {  	v3 =	vmul.u32 $0xFFFFFFEB, v2;
	_ =	sdelay $0x1  }
0x90: {  	v1 =	vadd.s32 v1, v3  }
0x91: {  	v3 =	vadd.s32 $0x80, v1  }
0x92: {  	v4 =	vor.u32 $0x80, v2;
	v5 =	vpop (erf)  }
0x93: {  	v5 =	vadd.f32 $1.000000050e-03, v5  }
0x94: {  	s19 =	sadd.s32 $0x10, s19  }
0x95: {  	v6 =	vadd.s32 $0x100, v1;
	[tilespmem:s19+$0x0] =	vst v5  }
0x96: {  	v62 =	vor.u32 $0x100, v2;
	v3 =	vld.idx.msk [tilespmem:v3+s3+$0x0], $0xffff  }
0x97: {  	v4 =	vld.idx.msk [tilespmem:v4+s3+$0x0], $0xffff  }
0x98: {  	v1 =	vld.idx.msk [tilespmem:v1+s3+$0x0], $0xffff  }
0x99: {  	v2 =	vld.idx.msk [tilespmem:v2+s3+$0x0], $0xffff  }
0x9a: {  	v6 =	vld.idx.msk [tilespmem:v6+s3+$0x0], $0xffff  }
0x9b: {  	v5 =	vld.idx.msk [tilespmem:v62+s3+$0x0], $0xffff;
	_ =	sdelay $0x2  }
0x9c: {  	v1 =	vsub.f32 v2, v1;
	v2 =	vsub.f32 v4, v3;
	_ =	sdelay $0x1  }
0x9d: {  	v3 =	vsub.f32 v5, v6;
	v1 =	vmul.f32 v1, v1;
	v2 =	vmul.f32 v2, v2;
	_ =	sdelay $0x1  }
0x9e: {  	v1 =	vadd.f32 v2, v1;
	v2 =	vmul.f32 v3, v3;
	_ =	sdelay $0x1  }
0x9f: {  	v1 =	vadd.f32 v2, v1;
	_ =	sdelay $0x1  }
0xa0: {  	v2 =	vshra.s32 v1, $0x1;
	v3 =	vmul.f32 $5.000000000e-01, v1  }
0xa1: {  	v2 =	vsub.s32 $0x5F3759DF, v2  }
0xa2: {  	v63 =	vmul.f32 v2, v3;
	_ =	sdelay $0x1  }
0xa3: {  	v4 =	vmul.f32 v2, v63;
	_ =	sdelay $0x1  }
0xa4: {  	v4 =	vsub.f32 $1.500000000e+00, v4;
	_ =	sdelay $0x1  }
0xa5: {  	v2 =	vmul.f32 v2, v4;
	_ =	sdelay $0x1  }
0xa6: {  	v4 =	vmul.f32 v2, v3;
	_ =	sdelay $0x1  }
0xa7: {  	v4 =	vmul.f32 v4, v2;
	_ =	sdelay $0x1  }
0xa8: {  	v4 =	vsub.f32 $1.500000000e+00, v4;
	_ =	sdelay $0x1  }
0xa9: {  	v2 =	vmul.f32 v4, v2;
	_ =	sdelay $0x1  }
0xaa: {  	v3 =	vmul.f32 v2, v3;
	_ =	sdelay $0x1  }
0xab: {  	v3 =	vmul.f32 v3, v2;
	_ =	sdelay $0x1  }
0xac: {  	v3 =	vsub.f32 $1.500000000e+00, v3;
	_ =	sdelay $0x1  }
0xad: {  	v2 =	vmul.f32 v3, v2;
	_ =	sdelay $0x1  }
0xae: {  	v2 =	vmul.f32 v2, v1;
	_ =	sdelay $0x1  }
0xaf: {  	v2 =	vmul.f32 $-1.000000000e+01, v2;
	_ =	sdelay $0x1  }
0xb0: {  	v2 =	vmul.f32 $1.442695020e+00, v2  }
0xb1: {  	vm0 =	vgt.f32 v1, $0.0e+00  }
0xb2: {  	v1 =	vnsel vm0, $0x80000000, v2  }
0xb3: {  	(erf) = vpow2.f32 v1;
	_ =	sdelay $0x8  }
0xb4: {  	v1 =	vpop (erf)  }
0xb5: {  	v1 =	vadd.f32 $1.000000050e-03, v1  }
0xb6: {  	s19 =	sadd.s32 $0x10, s19  }
0xb7: {  	[tilespmem:s19+$0x0] =	vst v1  }
0xb8: {  	_ =	swait.ge [sflag:s16], $0x800  }
0xb9: {  	[sflag:s16] =	ssyncset.done $0x0  }
0xba: {  	[sflag:s16] =	ssyncadd.s32 $0xFFFFF800  }
0xbb: {  	_ =	swait.ge [sflag:s17], $0x2000  }
0xbc: {  	[sflag:s17] =	ssyncset.done $0x0  }
0xbd: {  	s20 =	simm.s32 $0x0;
	s19 =	simm.s32 $0x0;
	[sflag:s17] =	ssyncadd.s32 $0xFFFFE000  }
.LBB2_4:
0xbe: {  	s21 =	sshll.u32 s20, $0x6  }
0xbf: {  	s22 =	sand.u32 $0x70, s19;
	s21 =	sand.u32 $0x3FFFFE00, s21  }
0xc0: {  	s21 =	sor.u32 s22, s21  }
0xc1: {  	v1 =	vld [tilespmem:s21+$0x400];
	_ =	sdelay $0x1  }
0xc2: {  	v2 =	vld [tilespmem:s21+$0x480]  }
0xc3: {  	v3 =	vld [tilespmem:s21+$0x500];
	_ =	sdelay $0x1  }
0xc4: {  	v1 =	vmul.u32 $0x15, v1;
	_ =	sdelay $0x1  }
0xc5: {  	v2 =	vadd.s32 v2, v1  }
0xc6: {  	v1 =	vadd.s32 v1, v3;
	_ =	sdelay $0x3  }
0xc7: {  	v2 =	vld.idx.msk [tilespmem:v2+s18+$0x0], $0xffff  }
0xc8: {  	v1 =	vld.idx.msk [tilespmem:v1+s18+$0x0], $0xffff;
	_ =	sdelay $0x4  }
0xc9: {  	v3 =	vadd.f32 v1, v2;
	_ =	sdelay $0x1  }
0xca: {  	(erf) = vrcp.f32 v3;
	_ =	sdelay $0x7  }
0xcb: {  	s25 =	sshll.u32 s20, $0x7  }
0xcc: {  	s23 =	sand.u32 $0xFFFFFC00, s25;
	v3 =	vpop (erf)  }
0xcd: {  	s21 =	sshrl.u32 s23, $0x2;
	v2 =	vmul.f32 v3, v2  }
0xce: {  	s21 =	sor.u32 s22, s21;
	v1 =	vmul.f32 v3, v1  }
0xcf: {  	[tilespmem:s21+$0x2C00] =	vst v2  }
0xd0: {  	[tilespmem:s21+$0x2C80] =	vst v1;
	s21 =	sor.u32 s22, s23  }
0xd1: {  	s22 =	sadd.s32 s23, s19;
	v1 =	vld [tilespmem:s21+$0xC00]  }
0xd2: {  	s23 =	sor.u32 $0x80, s22  }
0xd3: {  	v2 =	vld [tilespmem:s23+$0xC00]  }
0xd4: {  	v3 =	vld [tilespmem:s21+$0xD00]  }
0xd5: {  	s24 =	sor.u32 $0x180, s22  }
0xd6: {  	v6 =	vmul.u32 $0x15, v1;
	v1 =	vld [tilespmem:s24+$0xC00];
	_ =	sdelay $0x1  }
0xd7: {  	v4 =	vld [tilespmem:s21+$0xE00];
	v2 =	vadd.s32 v2, v6  }
0xd8: {  	s25 =	sor.u32 $0x280, s22;
	v3 =	vadd.s32 v6, v3  }
0xd9: {  	v7 =	vld [tilespmem:s25+$0xC00]  }
0xda: {  	v8 =	vld [tilespmem:s21+$0xF00];
	s22 =	sor.u32 $0x380, s22;
	v5 =	vadd.s32 v6, v1  }
0xdb: {  	v9 =	vld [tilespmem:s22+$0xC00]  }
0xdc: {  	v4 =	vadd.s32 v6, v4;
	v1 =	vld.idx.msk [tilespmem:v2+s18+$0x0], $0xffff  }
0xdd: {  	v2 =	vld.idx.msk [tilespmem:v3+s18+$0x0], $0xffff  }
0xde: {  	v43 =	vld [tilespmem:s21+$0x1C00];
	v42 =	vadd.s32 v6, v7  }
0xdf: {  	v3 =	vld.idx.msk [tilespmem:v5+s18+$0x0], $0xffff  }
0xe0: {  	v8 =	vadd.s32 v6, v8  }
0xe1: {  	v4 =	vld.idx.msk [tilespmem:v4+s18+$0x0], $0xffff  }
0xe2: {  	v9 =	vadd.s32 v6, v9;
	v10 =	vadd.f32 v2, v1  }
0xe3: {  	v5 =	vld.idx.msk [tilespmem:v42+s18+$0x0], $0xffff  }
0xe4: {  	v11 =	vadd.s32 v6, v43;
	v44 =	vadd.f32 v3, v10  }
0xe5: {  	v6 =	vld.idx.msk [tilespmem:v8+s18+$0x0], $0xffff  }
0xe6: {  	v45 =	vadd.f32 v4, v44  }
0xe7: {  	v7 =	vld.idx.msk [tilespmem:v9+s18+$0x0], $0xffff  }
0xe8: {  	v46 =	vadd.f32 v5, v45  }
0xe9: {  	v8 =	vld.idx.msk [tilespmem:v11+s18+$0x0], $0xffff  }
0xea: {  	v9 =	vadd.f32 v6, v46;
	_ =	sdelay $0x1  }
0xeb: {  	v9 =	vadd.f32 v7, v9;
	_ =	sdelay $0x1  }
0xec: {  	v9 =	vadd.f32 v8, v9;
	_ =	sdelay $0x1  }
0xed: {  	(erf) = vrcp.f32 v9;
	v47 =	vsub.f32 v9, v1;
	_ =	sdelay $0x1  }
0xee: {  	(erf) = vrcp.f32 v47;
	_ =	sdelay $0x4  }
0xef: {  	v48 =	vsub.f32 v9, v2;
	_ =	sdelay $0x1  }
0xf0: {  	v11 =	vpop (erf);
	(erf) = vrcp.f32 v48  }
0xf1: {  	v49 =	vmul.f32 v11, v1  }
0xf2: {  	v12 =	vpop (erf)  }
0xf3: {  	v10 =	vmul.f32 v12, v49;
	_ =	sdelay $0x1  }
0xf4: {  	v50 =	vsub.f32 v9, v3;
	v13 =	vmul.f32 v10, v2  }
0xf5: {  	v14 =	vmul.f32 v10, v3  }
0xf6: {  	(erf) = vrcp.f32 v50;
	v51 =	vmul.f32 v10, v4;
	[tilespmem:s21+$0x3000] =	vst v13  }
0xf7: {  	v52 =	vmul.f32 v11, v2;
	v53 =	vmul.f32 v10, v5;
	[tilespmem:s23+$0x3000] =	vst v14  }
0xf8: {  	v54 =	vmul.f32 v10, v6;
	v15 =	vpop (erf);
	[tilespmem:s21+$0x3100] =	vst v51  }
0xf9: {  	v55 =	vmul.f32 v10, v7;
	v13 =	vmul.f32 v15, v52;
	[tilespmem:s24+$0x3000] =	vst v53  }
0xfa: {  	v10 =	vmul.f32 v10, v8;
	[tilespmem:s21+$0x3200] =	vst v54  }
0xfb: {  	v56 =	vsub.f32 v9, v4;
	[tilespmem:s25+$0x3000] =	vst v55;
	v57 =	vmul.f32 v13, v1  }
0xfc: {  	v58 =	vmul.f32 v13, v3;
	[tilespmem:s21+$0x3300] =	vst v10  }
0xfd: {  	(erf) = vrcp.f32 v56;
	v59 =	vmul.f32 v13, v4;
	[tilespmem:s22+$0x3000] =	vst v57  }
0xfe: {  	v60 =	vmul.f32 v11, v3;
	v61 =	vmul.f32 v13, v5;
	[tilespmem:s21+$0x4000] =	vst v58  }
0xff: {  	v62 =	vpop (erf);
	v63 =	vmul.f32 v13, v6;
	[tilespmem:s21+$0x4080] =	vst v59  }
0x100: {  	v14 =	vmul.f32 v62, v60;
	v16 =	vmul.f32 v13, v7;
	[tilespmem:s21+$0x4100] =	vst v61  }
0x101: {  	v17 =	vmul.f32 v13, v8;
	[tilespmem:s21+$0x4180] =	vst v63  }
0x102: {  	v18 =	vsub.f32 v9, v5;
	v19 =	vmul.f32 v14, v1;
	[tilespmem:s21+$0x4200] =	vst v16  }
0x103: {  	v20 =	vmul.f32 v14, v2;
	[tilespmem:s21+$0x4280] =	vst v17  }
0x104: {  	(erf) = vrcp.f32 v18;
	v21 =	vmul.f32 v14, v4;
	[tilespmem:s21+$0x4300] =	vst v19  }
0x105: {  	v22 =	vmul.f32 v11, v4;
	v23 =	vmul.f32 v14, v5;
	[tilespmem:s21+$0x4380] =	vst v20  }
0x106: {  	v25 =	vmul.f32 v14, v6;
	[tilespmem:s21+$0x5000] =	vst v21;
	v24 =	vpop (erf)  }
0x107: {  	v26 =	vmul.f32 v14, v7;
	[tilespmem:s21+$0x5080] =	vst v23;
	v13 =	vmul.f32 v24, v22  }
0x108: {  	v27 =	vmul.f32 v14, v8;
	[tilespmem:s21+$0x5100] =	vst v25  }
0x109: {  	v28 =	vsub.f32 v9, v6;
	[tilespmem:s21+$0x5180] =	vst v26;
	v29 =	vmul.f32 v13, v1  }
0x10a: {  	[tilespmem:s21+$0x5200] =	vst v27;
	v30 =	vmul.f32 v13, v2  }
0x10b: {  	(erf) = vrcp.f32 v28;
	v31 =	vmul.f32 v13, v3;
	[tilespmem:s21+$0x5280] =	vst v29  }
0x10c: {  	v32 =	vmul.f32 v11, v5;
	v33 =	vmul.f32 v13, v5;
	[tilespmem:s21+$0x5300] =	vst v30  }
0x10d: {  	v34 =	vpop (erf);
	v35 =	vmul.f32 v13, v6;
	[tilespmem:s21+$0x5380] =	vst v31  }
0x10e: {  	v14 =	vmul.f32 v34, v32;
	v36 =	vmul.f32 v13, v7;
	[tilespmem:s21+$0x6000] =	vst v33  }
0x10f: {  	v37 =	vmul.f32 v13, v8;
	[tilespmem:s21+$0x6080] =	vst v35  }
0x110: {  	v38 =	vsub.f32 v9, v7;
	[tilespmem:s21+$0x6100] =	vst v36;
	v39 =	vmul.f32 v14, v1  }
0x111: {  	[tilespmem:s21+$0x6180] =	vst v37;
	v40 =	vmul.f32 v14, v2  }
0x112: {  	(erf) = vrcp.f32 v38;
	v41 =	vmul.f32 v14, v3;
	[tilespmem:s21+$0x6200] =	vst v39  }
0x113: {  	v42 =	vmul.f32 v11, v6;
	v43 =	vmul.f32 v14, v4;
	[tilespmem:s21+$0x6280] =	vst v40  }
0x114: {  	v45 =	vmul.f32 v14, v6;
	[tilespmem:s21+$0x6300] =	vst v41;
	v44 =	vpop (erf)  }
0x115: {  	v46 =	vmul.f32 v14, v7;
	[tilespmem:s21+$0x6380] =	vst v43;
	v13 =	vmul.f32 v44, v42  }
0x116: {  	v47 =	vmul.f32 v14, v8;
	[tilespmem:s21+$0x7000] =	vst v45  }
0x117: {  	v9 =	vsub.f32 v9, v8;
	[tilespmem:s21+$0x7080] =	vst v46;
	v48 =	vmul.f32 v13, v1  }
0x118: {  	[tilespmem:s21+$0x7100] =	vst v47;
	v49 =	vmul.f32 v13, v2  }
0x119: {  	(erf) = vrcp.f32 v9;
	v50 =	vmul.f32 v13, v3;
	[tilespmem:s21+$0x7180] =	vst v48  }
0x11a: {  	v51 =	vmul.f32 v11, v7;
	v52 =	vmul.f32 v13, v4;
	[tilespmem:s21+$0x7200] =	vst v49  }
0x11b: {  	v53 =	vpop (erf);
	v54 =	vmul.f32 v13, v5;
	[tilespmem:s21+$0x7280] =	vst v50  }
0x11c: {  	v12 =	vmul.f32 v53, v51;
	v55 =	vmul.f32 v13, v7;
	[tilespmem:s21+$0x7300] =	vst v52  }
0x11d: {  	v56 =	vmul.f32 v13, v8;
	[tilespmem:s21+$0x7380] =	vst v54  }
0x11e: {  	[tilespmem:s21+$0x8000] =	vst v55;
	v57 =	vmul.f32 v12, v1  }
0x11f: {  	[tilespmem:s21+$0x8080] =	vst v56;
	v58 =	vmul.f32 v12, v2  }
0x120: {  	v59 =	vmul.f32 v12, v3;
	[tilespmem:s21+$0x8100] =	vst v57  }
0x121: {  	v11 =	vmul.f32 v11, v8;
	v60 =	vmul.f32 v12, v4;
	[tilespmem:s21+$0x8180] =	vst v58  }
0x122: {  	v62 =	vmul.f32 v12, v5;
	[tilespmem:s21+$0x8200] =	vst v59;
	v61 =	vpop (erf)  }
0x123: {  	v63 =	vmul.f32 v12, v6;
	[tilespmem:s21+$0x8280] =	vst v60;
	v11 =	vmul.f32 v61, v11  }
0x124: {  	v8 =	vmul.f32 v12, v8;
	[tilespmem:s21+$0x8300] =	vst v62  }
0x125: {  	[tilespmem:s21+$0x8380] =	vst v63;
	v1 =	vmul.f32 v11, v1  }
0x126: {  	[tilespmem:s21+$0x9000] =	vst v8;
	v2 =	vmul.f32 v11, v2  }
0x127: {  	[tilespmem:s21+$0x9080] =	vst v1;
	v1 =	vmul.f32 v11, v3  }
0x128: {  	p0 =	sne.s32 s20, $0xF;
	[tilespmem:s21+$0x9100] =	vst v2;
	v2 =	vmul.f32 v11, v4  }
.Ltmp1:
0x129: {  	[tilespmem:s21+$0x9180] =	vst v1;
	v1 =	vmul.f32 v11, v5;
	(pc) =	sbr.rel @p0 .LBB2_4-.Ltmp1, $4  }
0x12a: {  	[tilespmem:s21+$0x9200] =	vst v2;
	v2 =	vmul.f32 v11, v6  }
0x12b: {  	[tilespmem:s21+$0x9280] =	vst v1;
	v1 =	vmul.f32 v11, v7  }
0x12c: {  	[tilespmem:s21+$0x9300] =	vst v2  }
0x12d: {  	s20 =	sadd.s32 $0x1, s20;
	s19 =	sadd.s32 $0x10, s19;
	[tilespmem:s21+$0x9380] =	vst v1  }
0x12e: {  	s19 =	simm.s32 $0x2C00  }
0x12f: {  	[hbm4b:s6+s3] =	stream.linear.scatter [tilespmem:s19], [sflag:$0x3], $0x200, $0x38;
	[tilespmem:$0xA000] =	vst v63  }
0x130: {  	s20 =	simm.s32 $0x3000  }
0x131: {  	[hbm4b:s7+s3] =	stream.linear.scatter [tilespmem:s20], [sflag:$0x4], $0x800, $0x38;
	[tilespmem:$0xA000] =	vst v63  }
0x132: {  	s21 =	sadd.s32 $0x4000, s7;
	s20 =	simm.s32 $0x4000  }
0x133: {  	[hbm4b:s21+s3] =	stream.linear.scatter [tilespmem:s20], [sflag:$0x4], $0x800, $0x38;
	[tilespmem:$0xA000] =	vst v63  }
0x134: {  	s22 =	sadd.s32 $0x8000, s7;
	s23 =	simm.s32 $0x5000  }
0x135: {  	[hbm4b:s22+s3] =	stream.linear.scatter [tilespmem:s23], [sflag:$0x4], $0x800, $0x38;
	[tilespmem:$0xA000] =	vst v63  }
0x136: {  	s24 =	sadd.s32 $0xC000, s7;
	s25 =	simm.s32 $0x6000  }
0x137: {  	[hbm4b:s24+s3] =	stream.linear.scatter [tilespmem:s25], [sflag:$0x4], $0x800, $0x38;
	[tilespmem:$0xA000] =	vst v63  }
0x138: {  	s21 =	sadd.s32 $0x10000, s7;
	s22 =	simm.s32 $0x7000  }
0x139: {  	[hbm4b:s21+s3] =	stream.linear.scatter [tilespmem:s22], [sflag:$0x4], $0x800, $0x38;
	[tilespmem:$0xA000] =	vst v63  }
0x13a: {  	s23 =	sadd.s32 $0x14000, s7;
	s24 =	simm.s32 $0x8000  }
0x13b: {  	[hbm4b:s23+s3] =	stream.linear.scatter [tilespmem:s24], [sflag:$0x4], $0x800, $0x38;
	[tilespmem:$0xA000] =	vst v63  }
0x13c: {  	s19 =	simm.s32 $0x10;
	s20 =	simm.s32 $0x100;
	s25 =	sadd.s32 $0x18000, s7  }
0x13d: {  	[hbm4b:s25+s3] =	stream.linear.scatter [tilespmem:s26], [sflag:$0x4], $0x800, $0x38;
	[tilespmem:$0xA000] =	vst v63  }
.LBB2_6:
0x13e: {  	s21 =	sshll.u32 s19, $0x6  }
0x13f: {  	s22 =	sand.u32 $0x70, s20;
	s21 =	sand.u32 $0x3FFFFE00, s21  }
0x140: {  	s21 =	sor.u32 s22, s21  }
0x141: {  	v1 =	vld [tilespmem:s21+$0x400];
	_ =	sdelay $0x1  }
0x142: {  	v2 =	vld [tilespmem:s21+$0x480]  }
0x143: {  	v3 =	vld [tilespmem:s21+$0x500];
	_ =	sdelay $0x1  }
0x144: {  	v1 =	vmul.u32 $0x15, v1;
	_ =	sdelay $0x1  }
0x145: {  	v2 =	vadd.s32 v2, v1  }
0x146: {  	v1 =	vadd.s32 v1, v3;
	_ =	sdelay $0x3  }
0x147: {  	v2 =	vld.idx.msk [tilespmem:v2+s18+$0x0], $0xffff  }
0x148: {  	v1 =	vld.idx.msk [tilespmem:v1+s18+$0x0], $0xffff;
	_ =	sdelay $0x4  }
0x149: {  	v3 =	vadd.f32 v1, v2;
	_ =	sdelay $0x1  }
0x14a: {  	(erf) = vrcp.f32 v3;
	_ =	sdelay $0x7  }
0x14b: {  	s23 =	sshll.u32 s19, $0x7  }
0x14c: {  	s23 =	sand.u32 $0xFFFFFC00, s23;
	v3 =	vpop (erf)  }
0x14d: {  	s21 =	sshrl.u32 s23, $0x2;
	v2 =	vmul.f32 v3, v2  }
0x14e: {  	s21 =	sor.u32 s22, s21;
	v1 =	vmul.f32 v3, v1  }
0x14f: {  	[tilespmem:s21+$0x2C00] =	vst v2  }
0x150: {  	s24 =	sor.u32 s22, s23;
	[tilespmem:s21+$0x2C80] =	vst v1  }
0x151: {  	v1 =	vld [tilespmem:s24+$0xC00];
	_ =	sdelay $0x1  }
0x152: {  	v2 =	vld [tilespmem:s24+$0xC80]  }
0x153: {  	s25 =	sadd.s32 s23, s20;
	v3 =	vld [tilespmem:s24+$0xD00]  }
0x154: {  	s23 =	sor.u32 $0x180, s25  }
0x155: {  	v6 =	vmul.u32 $0x15, v1;
	v1 =	vld [tilespmem:s23+$0xC00];
	_ =	sdelay $0x1  }
0x156: {  	v4 =	vld [tilespmem:s24+$0xE00];
	v2 =	vadd.s32 v2, v6  }
0x157: {  	v3 =	vadd.s32 v6, v3  }
0x158: {  	v7 =	vld [tilespmem:s24+$0xE80]  }
0x159: {  	s22 =	sor.u32 $0x380, s25;
	v8 =	vld [tilespmem:s24+$0xF00];
	v5 =	vadd.s32 v6, v1  }
0x15a: {  	v9 =	vld [tilespmem:s22+$0xC00]  }
0x15b: {  	v4 =	vadd.s32 v6, v4;
	v1 =	vld.idx.msk [tilespmem:v2+s18+$0x0], $0xffff  }
0x15c: {  	v2 =	vld.idx.msk [tilespmem:v3+s18+$0x0], $0xffff  }
0x15d: {  	v43 =	vld [tilespmem:s24+$0x1C00];
	v42 =	vadd.s32 v6, v7  }
0x15e: {  	v3 =	vld.idx.msk [tilespmem:v5+s18+$0x0], $0xffff  }
0x15f: {  	v8 =	vadd.s32 v6, v8  }
0x160: {  	v4 =	vld.idx.msk [tilespmem:v4+s18+$0x0], $0xffff  }
0x161: {  	v9 =	vadd.s32 v6, v9;
	v10 =	vadd.f32 v2, v1  }
0x162: {  	v5 =	vld.idx.msk [tilespmem:v42+s18+$0x0], $0xffff  }
0x163: {  	v11 =	vadd.s32 v6, v43;
	v44 =	vadd.f32 v3, v10  }
0x164: {  	v6 =	vld.idx.msk [tilespmem:v8+s18+$0x0], $0xffff  }
0x165: {  	v45 =	vadd.f32 v4, v44  }
0x166: {  	v7 =	vld.idx.msk [tilespmem:v9+s18+$0x0], $0xffff  }
0x167: {  	v46 =	vadd.f32 v5, v45  }
0x168: {  	v8 =	vld.idx.msk [tilespmem:v11+s18+$0x0], $0xffff  }
0x169: {  	v9 =	vadd.f32 v6, v46;
	_ =	sdelay $0x1  }
0x16a: {  	v9 =	vadd.f32 v7, v9;
	_ =	sdelay $0x1  }
0x16b: {  	v9 =	vadd.f32 v8, v9;
	_ =	sdelay $0x1  }
0x16c: {  	(erf) = vrcp.f32 v9;
	v47 =	vsub.f32 v9, v1;
	_ =	sdelay $0x1  }
0x16d: {  	(erf) = vrcp.f32 v47;
	_ =	sdelay $0x4  }
0x16e: {  	v48 =	vsub.f32 v9, v2;
	_ =	sdelay $0x1  }
0x16f: {  	v11 =	vpop (erf);
	(erf) = vrcp.f32 v48  }
0x170: {  	v49 =	vmul.f32 v11, v1  }
0x171: {  	v12 =	vpop (erf)  }
0x172: {  	v10 =	vmul.f32 v12, v49;
	_ =	sdelay $0x1  }
0x173: {  	v50 =	vsub.f32 v9, v3;
	v13 =	vmul.f32 v10, v2  }
0x174: {  	v14 =	vmul.f32 v10, v3  }
0x175: {  	(erf) = vrcp.f32 v50;
	v51 =	vmul.f32 v10, v4;
	[tilespmem:s24+$0x3000] =	vst v13  }
0x176: {  	v52 =	vmul.f32 v11, v2;
	v53 =	vmul.f32 v10, v5;
	[tilespmem:s24+$0x3080] =	vst v14  }
0x177: {  	v54 =	vmul.f32 v10, v6;
	[tilespmem:s24+$0x3100] =	vst v51;
	v15 =	vpop (erf)  }
0x178: {  	v55 =	vmul.f32 v10, v7;
	[tilespmem:s23+$0x3000] =	vst v53;
	v13 =	vmul.f32 v15, v52  }
0x179: {  	v10 =	vmul.f32 v10, v8;
	[tilespmem:s24+$0x3200] =	vst v54  }
0x17a: {  	v56 =	vsub.f32 v9, v4;
	[tilespmem:s24+$0x3280] =	vst v55;
	v57 =	vmul.f32 v13, v1  }
0x17b: {  	[tilespmem:s24+$0x3300] =	vst v10;
	v58 =	vmul.f32 v13, v3  }
0x17c: {  	(erf) = vrcp.f32 v56;
	v59 =	vmul.f32 v13, v4;
	[tilespmem:s22+$0x3000] =	vst v57  }
0x17d: {  	v60 =	vmul.f32 v11, v3;
	v61 =	vmul.f32 v13, v5;
	[tilespmem:s24+$0x4000] =	vst v58  }
0x17e: {  	v62 =	vpop (erf);
	v63 =	vmul.f32 v13, v6;
	[tilespmem:s24+$0x4080] =	vst v59  }
0x17f: {  	v14 =	vmul.f32 v62, v60;
	v16 =	vmul.f32 v13, v7;
	[tilespmem:s24+$0x4100] =	vst v61  }
0x180: {  	v17 =	vmul.f32 v13, v8;
	[tilespmem:s24+$0x4180] =	vst v63  }
0x181: {  	v18 =	vsub.f32 v9, v5;
	v19 =	vmul.f32 v14, v1;
	[tilespmem:s24+$0x4200] =	vst v16  }
0x182: {  	v20 =	vmul.f32 v14, v2;
	[tilespmem:s24+$0x4280] =	vst v17  }
0x183: {  	(erf) = vrcp.f32 v18;
	v21 =	vmul.f32 v14, v4;
	[tilespmem:s24+$0x4300] =	vst v19  }
0x184: {  	v22 =	vmul.f32 v11, v4;
	v23 =	vmul.f32 v14, v5;
	[tilespmem:s24+$0x4380] =	vst v20  }
0x185: {  	v25 =	vmul.f32 v14, v6;
	[tilespmem:s24+$0x5000] =	vst v21;
	v24 =	vpop (erf)  }
0x186: {  	v26 =	vmul.f32 v14, v7;
	[tilespmem:s24+$0x5080] =	vst v23;
	v13 =	vmul.f32 v24, v22  }
0x187: {  	v27 =	vmul.f32 v14, v8;
	[tilespmem:s24+$0x5100] =	vst v25  }
0x188: {  	v28 =	vsub.f32 v9, v6;
	[tilespmem:s24+$0x5180] =	vst v26;
	v29 =	vmul.f32 v13, v1  }
0x189: {  	[tilespmem:s24+$0x5200] =	vst v27;
	v30 =	vmul.f32 v13, v2  }
0x18a: {  	(erf) = vrcp.f32 v28;
	v31 =	vmul.f32 v13, v3;
	[tilespmem:s24+$0x5280] =	vst v29  }
0x18b: {  	v32 =	vmul.f32 v11, v5;
	v33 =	vmul.f32 v13, v5;
	[tilespmem:s24+$0x5300] =	vst v30  }
0x18c: {  	v34 =	vpop (erf);
	v35 =	vmul.f32 v13, v6;
	[tilespmem:s24+$0x5380] =	vst v31  }
0x18d: {  	v14 =	vmul.f32 v34, v32;
	v36 =	vmul.f32 v13, v7;
	[tilespmem:s24+$0x6000] =	vst v33  }
0x18e: {  	v37 =	vmul.f32 v13, v8;
	[tilespmem:s24+$0x6080] =	vst v35  }
0x18f: {  	v38 =	vsub.f32 v9, v7;
	[tilespmem:s24+$0x6100] =	vst v36;
	v39 =	vmul.f32 v14, v1  }
0x190: {  	[tilespmem:s24+$0x6180] =	vst v37;
	v40 =	vmul.f32 v14, v2  }
0x191: {  	(erf) = vrcp.f32 v38;
	v41 =	vmul.f32 v14, v3;
	[tilespmem:s24+$0x6200] =	vst v39  }
0x192: {  	v42 =	vmul.f32 v11, v6;
	v43 =	vmul.f32 v14, v4;
	[tilespmem:s24+$0x6280] =	vst v40  }
0x193: {  	v45 =	vmul.f32 v14, v6;
	[tilespmem:s24+$0x6300] =	vst v41;
	v44 =	vpop (erf)  }
0x194: {  	v46 =	vmul.f32 v14, v7;
	[tilespmem:s24+$0x6380] =	vst v43;
	v13 =	vmul.f32 v44, v42  }
0x195: {  	v47 =	vmul.f32 v14, v8;
	[tilespmem:s24+$0x7000] =	vst v45  }
0x196: {  	v9 =	vsub.f32 v9, v8;
	[tilespmem:s24+$0x7080] =	vst v46;
	v48 =	vmul.f32 v13, v1  }
0x197: {  	[tilespmem:s24+$0x7100] =	vst v47;
	v49 =	vmul.f32 v13, v2  }
0x198: {  	(erf) = vrcp.f32 v9;
	v50 =	vmul.f32 v13, v3;
	[tilespmem:s24+$0x7180] =	vst v48  }
0x199: {  	v51 =	vmul.f32 v11, v7;
	v52 =	vmul.f32 v13, v4;
	[tilespmem:s24+$0x7200] =	vst v49  }
0x19a: {  	v53 =	vpop (erf);
	v54 =	vmul.f32 v13, v5;
	[tilespmem:s24+$0x7280] =	vst v50  }
0x19b: {  	v12 =	vmul.f32 v53, v51;
	v55 =	vmul.f32 v13, v7;
	[tilespmem:s24+$0x7300] =	vst v52  }
0x19c: {  	v56 =	vmul.f32 v13, v8;
	[tilespmem:s24+$0x7380] =	vst v54  }
0x19d: {  	[tilespmem:s24+$0x8000] =	vst v55;
	v57 =	vmul.f32 v12, v1  }
0x19e: {  	[tilespmem:s24+$0x8080] =	vst v56;
	v58 =	vmul.f32 v12, v2  }
0x19f: {  	v59 =	vmul.f32 v12, v3;
	[tilespmem:s24+$0x8100] =	vst v57  }
0x1a0: {  	v11 =	vmul.f32 v11, v8;
	v60 =	vmul.f32 v12, v4;
	[tilespmem:s24+$0x8180] =	vst v58  }
0x1a1: {  	v62 =	vmul.f32 v12, v5;
	[tilespmem:s24+$0x8200] =	vst v59;
	v61 =	vpop (erf)  }
0x1a2: {  	v63 =	vmul.f32 v12, v6;
	[tilespmem:s24+$0x8280] =	vst v60;
	v11 =	vmul.f32 v61, v11  }
0x1a3: {  	v8 =	vmul.f32 v12, v8;
	[tilespmem:s24+$0x8300] =	vst v62  }
0x1a4: {  	[tilespmem:s24+$0x8380] =	vst v63;
	v1 =	vmul.f32 v11, v1  }
0x1a5: {  	[tilespmem:s24+$0x9000] =	vst v8;
	v2 =	vmul.f32 v11, v2  }
0x1a6: {  	[tilespmem:s24+$0x9080] =	vst v1;
	v1 =	vmul.f32 v11, v3  }
0x1a7: {  	p0 =	sne.s32 s19, $0x1F;
	[tilespmem:s24+$0x9100] =	vst v2;
	v2 =	vmul.f32 v11, v4  }
.Ltmp2:
0x1a8: {  	[tilespmem:s24+$0x9180] =	vst v1;
	v1 =	vmul.f32 v11, v5;
	(pc) =	sbr.rel @p0 .LBB2_6-.Ltmp2, $4  }
0x1a9: {  	[tilespmem:s24+$0x9200] =	vst v2;
	v2 =	vmul.f32 v11, v6  }
0x1aa: {  	[tilespmem:s24+$0x9280] =	vst v1;
	v1 =	vmul.f32 v11, v7  }
0x1ab: {  	[tilespmem:s24+$0x9300] =	vst v2  }
0x1ac: {  	s19 =	sadd.s32 $0x1, s19;
	s20 =	sadd.s32 $0x10, s20;
	[tilespmem:s24+$0x9380] =	vst v1  }
0x1ad: {  	[hbm4b:s8+s3] =	stream.linear.scatter [tilespmem:s28], [sflag:$0x3], $0x200, $0x38;
	[tilespmem:$0xA000] =	vst v63  }
0x1ae: {  	_ = 	snop  }
0x1af: {  	[hbm4b:s9+s3] =	stream.linear.scatter [tilespmem:s29], [sflag:$0x4], $0x800, $0x38;
	[tilespmem:$0xA000] =	vst v63  }
0x1b0: {  	s19 =	sadd.s32 $0x4000, s9  }
0x1b1: {  	[hbm4b:s19+s3] =	stream.linear.scatter [tilespmem:s30], [sflag:$0x4], $0x800, $0x38;
	[tilespmem:$0xA000] =	vst v63  }
0x1b2: {  	s21 =	sadd.s32 $0x8000, s9  }
0x1b3: {  	[hbm4b:s21+s3] =	stream.linear.scatter [tilespmem:s31], [sflag:$0x4], $0x800, $0x38;
	[tilespmem:$0xA000] =	vst v63  }
0x1b4: {  	s22 =	sadd.s32 $0xC000, s9  }
0x1b5: {  	[hbm4b:s22+s3] =	stream.linear.scatter [tilespmem:s0], [sflag:$0x4], $0x800, $0x38;
	[tilespmem:$0xA000] =	vst v63  }
0x1b6: {  	s23 =	sadd.s32 $0x10000, s9  }
0x1b7: {  	[hbm4b:s23+s3] =	stream.linear.scatter [tilespmem:s2], [sflag:$0x4], $0x800, $0x38;
	[tilespmem:$0xA000] =	vst v63  }
0x1b8: {  	s24 =	sadd.s32 $0x14000, s9  }
0x1b9: {  	[hbm4b:s24+s3] =	stream.linear.scatter [tilespmem:s1], [sflag:$0x4], $0x800, $0x38;
	[tilespmem:$0xA000] =	vst v63  }
0x1ba: {  	s25 =	sadd.s32 $0x18000, s9  }
0x1bb: {  	[hbm4b:s25+s3] =	stream.linear.scatter [tilespmem:s11], [sflag:$0x4], $0x800, $0x38;
	[tilespmem:$0xA000] =	vst v63  }
0x1bc: {  	_ =	swait.ge [sflag:s12], $0x200  }
0x1bd: {  	[sflag:s12] =	ssyncset.done $0x0  }
0x1be: {  	[sflag:s12] =	ssyncadd.s32 $0xFFFFFE00  }
0x1bf: {  	_ =	swait.ge [sflag:s13], $0x3800  }
0x1c0: {  	[sflag:s13] =	ssyncset.done $0x0  }
0x1c1: {  	s14 =	sadd.s32 $0x1, s14;
	[sflag:s13] =	ssyncadd.s32 $0xFFFFC800  }
0x1c2: {  	p0 =	sne.s32 s14, s10;
	_ =	swait.ge [sflag:s12], $0x200  }
.Ltmp3:
0x1c3: {  	[sflag:s12] =	ssyncset.done $0x0;
	(pc) =	sbr.rel @p0 .LBB2_1-.Ltmp3, $4  }
0x1c4: {  	[sflag:s12] =	ssyncadd.s32 $0xFFFFFE00  }
0x1c5: {  	_ =	swait.ge [sflag:s13], $0x3800  }
0x1c6: {  	[sflag:s13] =	ssyncset.done $0x0  }
0x1c7: {  	[sflag:s13] =	ssyncadd.s32 $0xFFFFC800  }
0x1c8: {  	_ =	sfence.sel $0x180000  }
0x1c9: {  	[bflag:$0x0] =	sbarrier.arrive $0xFFFF  }
0x1ca: {  	_ =	strace $0x90000047  }
0x1cb: {  	s0 =	stileid.u32;
	[bflag:$0x2] =	sbarrier.arrive $0xFFFF  }
0x1cc: {  	p0 =	sne.s32 s0, $0x0;
	s0 =	rddreg [dreg:$0x5]  }
0x1cd: {  	s0 =	sadd.s32 @!p0 $0x100000, s0  }
0x1ce: {  	[sflag:s0] =	ssyncadd.tile.s32 @!p0 $0x1;
	_ =	shalt  }
.Lfunc_end2:
_tile_overlayer_lowered:
.L_overlay_start_2:
0x1cf: {  	(tag) =	ssettag $0x2  }
0x1d0: {  	s0 =	rddreg [dreg:$0x0];
	s2 =	stileid.u32  }
0x1d1: {  	s1 =	rddreg [dreg:$0x1];
	p0 =	sne.s32 s2, $0x0  }
0x1d2: {  	s3 =	rddreg [dreg:$0x2];
	[bflag:$0x3] =	sbarrier.arrive $0xFFFF;
	s2 =	simm.s32 @!p0 $0x1C05  }
0x1d3: {  	[timem:s3], [sflag:s2] =	dma.local @!p0 [hbm:s0], s1  }
0x1d4: {  	s0 =	simm.s32 @!p0 $0x5  }
0x1d5: {  	_ =	swait.ge @!p0 [sflag:s0], s1  }
0x1d6: {  	s1 =	ssub.s32 @!p0 $0x0, s1;
	[sflag:s0] =	ssyncset.done @!p0 $0x0  }
0x1d7: {  	[sflag:s0] =	ssyncadd.s32 @!p0 s1  }
0x1d8: {  	[bflag:$0x3] =	sbarrier.arrive $0xFFFF  }
0x1d9: {  	_ =	shalt  }

</sc_bundles>
